<compile_context>
chip_gen: v7x
topology: tpu7x:2x2x1
jax: 0.10.2.dev20260603
libtpu: 0.0.44.dev20260713+nightly
codegen_flags: <defaults>
</compile_context>

<pallas_src>
import functools

import jax
import jax.numpy as jnp
from jax import lax
from jax.experimental import pallas as pl
from jax.experimental.pallas import tpu as pltpu
from jax.experimental.pallas import tpu_sc as plsc

_N = 10000
_E = 320000
_D = 128
_H = 128

_NC = 2
_NS = 16
_NW = _NC * _NS
_EPW = _E // _NW
_C = 80
_CHUNKS = _EPW // _C
_RPT = 1000
_NWRITERS = _N // _RPT
_L = 16
_NVEC = _N // _L


def _sc_segment_sum(x, src, dst, zeros_blk):
    mesh = plsc.VectorSubcoreMesh(core_axis_name="c", subcore_axis_name="s")

    @functools.partial(
        pl.kernel,
        out_type=[
            jax.ShapeDtypeStruct((_NC, _N, _D), jnp.float32),
            jax.ShapeDtypeStruct((_NC, _N), jnp.float32),
        ],
        mesh=mesh,
        compiler_params=pltpu.CompilerParams(needs_layout_passes=False),
        scratch_types=[
            pltpu.VMEM((_C,), jnp.int32),
            pltpu.VMEM((_C,), jnp.int32),
            pltpu.VMEM((_C, _D), jnp.float32),
            pltpu.VMEM((_N,), jnp.float32),
            pltpu.VMEM((_N,), jnp.float32),
            pltpu.VMEM_SHARED((_N, _D), jnp.float32),
            pltpu.VMEM_SHARED((_NS, _N), jnp.float32),
            pltpu.SemaphoreType.DMA,
        ],
    )
    def seg_kernel(x_hbm, src_hbm, dst_hbm, z_hbm, out_rows, out_cnt,
                   src_v, dst_v, rows_v, cnt_v, tmp_v, acc_sh, cnt_sh, sem):
        cid = lax.axis_index("c")
        sid = lax.axis_index("s")
        wid = cid * _NS + sid

        @pl.when(sid < _NWRITERS)
        def _():
            pltpu.sync_copy(z_hbm, acc_sh.at[pl.ds(sid * _RPT, _RPT)])

        zeros16 = jnp.zeros((_L,), jnp.float32)

        def zbody(k, carry):
            cnt_v[pl.ds(k * _L, _L)] = zeros16
            return carry

        lax.fori_loop(0, _NVEC, zbody, 0)

        plsc.subcore_barrier()

        base = wid * _EPW
        ones16 = jnp.ones((_L,), jnp.float32)

        def body(i, carry):
            off = base + i * _C
            pltpu.sync_copy(src_hbm.at[pl.ds(off, _C)], src_v)
            pltpu.sync_copy(dst_hbm.at[pl.ds(off, _C)], dst_v)
            pltpu.async_copy(x_hbm.at[src_v], rows_v, sem).wait()
            pltpu.sync_copy(rows_v, acc_sh.at[dst_v], add=True)
            for k in range(_C // _L):
                idx16 = dst_v[pl.ds(k * _L, _L)]
                plsc.addupdate_scatter(cnt_v, [idx16], ones16)
            return carry

        lax.fori_loop(0, _CHUNKS, body, 0)

        pltpu.sync_copy(cnt_v, cnt_sh.at[sid])
        plsc.subcore_barrier()

        @pl.when(sid < _NWRITERS)
        def _():
            pltpu.sync_copy(acc_sh.at[pl.ds(sid * _RPT, _RPT)],
                            out_rows.at[cid, pl.ds(sid * _RPT, _RPT)])

        for r in (8, 4, 2, 1):
            @pl.when(sid < r)
            def _(r=r):
                pltpu.sync_copy(cnt_sh.at[sid + r], tmp_v)

                def rbody(k, carry):
                    sl = pl.ds(k * _L, _L)
                    cnt_v[sl] = cnt_v[sl] + tmp_v[sl]
                    return carry

                lax.fori_loop(0, _NVEC, rbody, 0)
                pltpu.sync_copy(cnt_v, cnt_sh.at[sid])
            plsc.subcore_barrier()

        @pl.when(sid == 0)
        def _():
            pltpu.sync_copy(cnt_v, out_cnt.at[cid])

    return seg_kernel(x, src, dst, zeros_blk)


_BN = 1000


def _tc_gates(acc, cnt, x, Wls, Wrs, bs, Wpi, Wpc, Wpo, bpi, bpc, bpo):
    def body(a, cn, xr, wls, wrs, bsr, wpi, wpc, wpo, bpir, bpcr, bpor,
             h_ref, c_ref):
        ssum = a[0] + a[1]
        n = jnp.maximum(cn[0] + cn[1], 1.0)
        mean = ssum / n
        u = (jnp.dot(mean, wls[:, :], preferred_element_type=jnp.float32)
             + jnp.dot(xr[:, :], wrs[:, :], preferred_element_type=jnp.float32)
             + bsr[:, :])
        zi = jnp.dot(u[:, 0:_H], wpi[:, :],
                     preferred_element_type=jnp.float32) + bpir[:, :]
        zc = jnp.dot(u[:, _H:2 * _H], wpc[:, :],
                     preferred_element_type=jnp.float32) + bpcr[:, :]
        zo = jnp.dot(u[:, 2 * _H:3 * _H], wpo[:, :],
                     preferred_element_type=jnp.float32) + bpor[:, :]
        ig = jax.nn.sigmoid(zi)
        tg = jnp.tanh(zc)
        og = jax.nn.sigmoid(zo)
        cnew = ig * tg
        c_ref[:, :] = cnew
        h_ref[:, :] = og * jnp.tanh(cnew)

    row_block = lambda w: pl.BlockSpec((_BN, w), lambda i: (i, 0))
    full = lambda arr: pl.BlockSpec(arr.shape, lambda i: (0,) * arr.ndim)

    return pl.pallas_call(
        body,
        grid=(_N // _BN,),
        in_specs=[
            pl.BlockSpec((_NC, _BN, _D), lambda i: (0, i, 0)),
            pl.BlockSpec((_NC, _BN, 1), lambda i: (0, i, 0)),
            row_block(_D),
            full(Wls), full(Wrs), full(bs),
            full(Wpi), full(Wpc), full(Wpo),
            full(bpi), full(bpc), full(bpo),
        ],
        out_specs=[row_block(_H), row_block(_H)],
        out_shape=[
            jax.ShapeDtypeStruct((_N, _H), jnp.float32),
            jax.ShapeDtypeStruct((_N, _H), jnp.float32),
        ],
    )(acc, cnt, x, Wls, Wrs, bs, Wpi, Wpc, Wpo, bpi, bpc, bpo)


def kernel(x, edge_index,
           Wl_i, Wr_i, b_i, Wp_i, bp_i,
           Wl_f, Wr_f, b_f, Wp_f, bp_f,
           Wl_c, Wr_c, b_c, Wp_c, bp_c,
           Wl_o, Wr_o, b_o, Wp_o, bp_o):
    src = edge_index[0].astype(jnp.int32)
    dst = edge_index[1].astype(jnp.int32)
    zeros_blk = jnp.zeros((_RPT, _D), jnp.float32)

    acc, cnt = _sc_segment_sum(x, src, dst, zeros_blk)
    cnt = cnt.reshape(_NC, _N, 1)

    Wls = jnp.concatenate([Wl_i, Wl_c, Wl_o], axis=1)
    Wrs = jnp.concatenate([Wr_i, Wr_c, Wr_o], axis=1)
    bs = jnp.concatenate([b_i, b_c, b_o])[None, :]

    h_new, c_new = _tc_gates(acc, cnt, x, Wls, Wrs, bs,
                             Wp_i, Wp_c, Wp_o,
                             bp_i[None, :], bp_c[None, :], bp_o[None, :])
    return (h_new, c_new)

# --- scband reference (transcript-rebuilt; emitter-appended) ---
"""Pipeline reference for scband-hetero-glstm-57612691309064 (READ-ONLY COPY).

The authoritative reference and input builder live on the scoring server;
editing this copy changes nothing except your own understanding.
"""

import jax, jax.numpy as jnp
import numpy as np

N = 10000
E = 320000
D = 128
H = 128

def setup_inputs(seed: int = 0) -> dict:
    key = jax.random.key(seed)
    ks = jax.random.split(key, 16)
    inp = {}
    inp["x"] = jax.random.normal(ks[0], (N, D), dtype=jnp.float32)
    inp["edge_index"] = jax.random.randint(ks[1], (2, E), 0, N)
    i = 2
    for g in ["i", "f", "c", "o"]:
        inp["Wl_" + g] = jax.random.normal(ks[i], (D, H), dtype=jnp.float32) * 0.05; i += 1
        inp["Wr_" + g] = jax.random.normal(ks[i], (D, H), dtype=jnp.float32) * 0.05; i += 1
        inp["b_" + g] = jnp.zeros((H,), dtype=jnp.float32)
        inp["Wp_" + g] = jax.random.normal(ks[i], (H, H), dtype=jnp.float32) * 0.05; i += 1
        inp["bp_" + g] = jnp.zeros((H,), dtype=jnp.float32)
    return inp

def _sage(x, src, dst, Wl, Wr, b):
    # PyG SAGEConv with mean aggregation: lin_l(mean_j x_j) + lin_r(x_i)
    msg = x[src]
    s = jax.ops.segment_sum(msg, dst, num_segments=x.shape[0])
    cnt = jax.ops.segment_sum(jnp.ones((src.shape[0], 1), dtype=x.dtype), dst, num_segments=x.shape[0])
    mean = s / jnp.maximum(cnt, 1.0)
    return mean @ Wl + b + x @ Wr

def reference(x, edge_index, Wl_i, Wr_i, b_i, Wp_i, bp_i, Wl_f, Wr_f, b_f, Wp_f, bp_f, Wl_c, Wr_c, b_c, Wp_c, bp_c, Wl_o, Wr_o, b_o, Wp_o, bp_o):
    src = edge_index[0]
    dst = edge_index[1]
    # h_dict / c_dict default to zeros (per _set_hidden_state / _set_cell_state)
    c0 = jnp.zeros((x.shape[0], H), dtype=x.dtype)
    # gates: HeteroConv(SAGEConv) -> Linear -> activation (h_dict is unused by Gate.forward)
    i_g = jax.nn.sigmoid(_sage(x, src, dst, Wl_i, Wr_i, b_i) @ Wp_i + bp_i)
    f_g = jax.nn.sigmoid(_sage(x, src, dst, Wl_f, Wr_f, b_f) @ Wp_f + bp_f)
    t_g = jnp.tanh(_sage(x, src, dst, Wl_c, Wr_c, b_c) @ Wp_c + bp_c)
    c_new = f_g * c0 + i_g * t_g
    o_g = jax.nn.sigmoid(_sage(x, src, dst, Wl_o, Wr_o, b_o) @ Wp_o + bp_o)
    h_new = o_g * jnp.tanh(c_new)
    return (h_new, c_new)

if __name__ == "__main__":
    import jax
    _d = setup_inputs()
    print(jax.jit(kernel)(*tuple(_d.values())))

</pallas_src>

<mosaic_0001>
#map = affine_map<(d0, d1) -> (0, 0)>
#map1 = affine_map<(d0, d1) -> (0)>
#map2 = affine_map<(d0, d1) -> (0, 0, 0)>
module attributes {stable_mosaic.version = 14 : i64} {
  func.func @seg_kernel(%arg0: i32, %arg1: i32, %arg2: memref<10000x128xf32, #tpu.memory_space<hbm>>, %arg3: memref<320000xi32, #tpu.memory_space<hbm>>, %arg4: memref<320000xi32, #tpu.memory_space<hbm>>, %arg5: memref<1000x128xf32, #tpu.memory_space<hbm>>, %arg6: memref<2x10000x128xf32, #tpu.memory_space<hbm>>, %arg7: memref<2x10000xf32, #tpu.memory_space<hbm>>, %arg8: memref<80xi32, #tpu.memory_space<vmem>>, %arg9: memref<80xi32, #tpu.memory_space<vmem>>, %arg10: memref<80x128xf32, #tpu.memory_space<vmem>>, %arg11: memref<10000xf32, #tpu.memory_space<vmem>>, %arg12: memref<10000xf32, #tpu.memory_space<vmem>>, %arg13: memref<10000x128xf32, #tpu.memory_space<vmem_shared>>, %arg14: memref<16x10000xf32, #tpu.memory_space<vmem_shared>>, %arg15: memref<!tpu.dma_semaphore, #tpu.memory_space<semaphore_mem>>) attributes {dimension_semantics = [#tpu.dimension_semantics<core_parallel>, #tpu.dimension_semantics<subcore_parallel>], iteration_bounds = array<i64: 2, 16>, scalar_prefetch = 0 : i64, scratch_operands = 8 : i64, tpu.core_type = #tpu.core_type<sc_vector_subcore>, window_params = [{transform_indices = #map}, {transform_indices = #map1}, {transform_indices = #map1}, {transform_indices = #map}, {transform_indices = #map2}, {transform_indices = #map}]} {
    %mul3A = arith.constant 16 : i32
    %mul3A_0 = arith.muli %arg0, %mul3A : i32
    %add3A = arith.addi %mul3A_0, %arg1 : i32
    %lt3A = arith.constant 10 : i32
    %lt3A_1 = arith.cmpi slt, %arg1, %lt3A : i32
    %convert_element_type3A = arith.extui %lt3A_1 : i1 to i32
    %cond3A = arith.constant 0 : i32
    %cond3A_2 = arith.cmpi ne, %convert_element_type3A, %cond3A : i32
    scf.if %cond3A_2 {
      %mul3A_53 = arith.constant 1000 : i32
      %mul3A_54 = arith.muli %arg1, %mul3A_53 : i32
      "tpu.region"() ({
        %run_scoped3A = tpu.sem_alloc : memref<!tpu.dma_semaphore, #tpu.memory_space<semaphore_mem>>
        %dma_start3A = arith.constant 0 : i32
        %dma_start3A_55 = tpu.memref_slice %arg13[%mul3A_54, %dma_start3A] : memref<10000x128xf32, #tpu.memory_space<vmem_shared>> -> memref<1000x128xf32, #tpu.memory_space<vmem_shared>>
        tpu.enqueue_dma source(%arg5 : memref<1000x128xf32, #tpu.memory_space<hbm>>) target(%dma_start3A_55 : memref<1000x128xf32, #tpu.memory_space<vmem_shared>>) target_semaphore(%run_scoped3A : memref<!tpu.dma_semaphore, #tpu.memory_space<semaphore_mem>>)
        %dma_wait3A = arith.constant 0 : i32
        %dma_wait3A_56 = tpu.memref_slice %arg13[%mul3A_54, %dma_wait3A] : memref<10000x128xf32, #tpu.memory_space<vmem_shared>> -> memref<1000x128xf32, #tpu.memory_space<vmem_shared>>
        tpu.wait_dma2 semaphore(%run_scoped3A : memref<!tpu.dma_semaphore, #tpu.memory_space<semaphore_mem>>) src(%arg5 : memref<1000x128xf32, #tpu.memory_space<hbm>>) dst(%dma_wait3A_56 : memref<1000x128xf32, #tpu.memory_space<vmem_shared>>)
        tpu.yield
      }) : () -> ()
    } else {
    }
    %broadcast_in_dim3A = arith.constant 0.000000e+00 : f32
    %broadcast_in_dim3A_3 = vector.broadcast %broadcast_in_dim3A : f32 to vector<16xf32>
    %scan3A = arith.constant 0 : i32
    %scan3A_4 = arith.constant 0 : i32
    %scan3A_5 = arith.constant 625 : i32
    %scan3A_6 = arith.addi %scan3A_4, %scan3A_5 : i32
    %scan3A_7 = arith.constant 1 : i32
    scf.for %scan3A_53 = %scan3A_4 to %scan3A_6 step %scan3A_7  : i32 {
      %mul3A_54 = arith.constant 16 : i32
      %mul3A_55 = arith.muli %scan3A_53, %mul3A_54 : i32
      %swap3A = arith.index_cast %mul3A_55 : i32 to index
      %swap3A_56 = tpu.vector_load %arg11[%swap3A] {strides = array<i32>} : memref<10000xf32, #tpu.memory_space<vmem>>, vector<16xf32>,
      tpu.vector_store %arg11[%swap3A], %broadcast_in_dim3A_3 {strides = array<i32>} : memref<10000xf32, #tpu.memory_space<vmem>>, vector<16xf32>,
    }
    %scan3A_8 = arith.constant 625 : i32
    %barrier3A = arith.constant 0 : index
    tpu.barrier barrier_id(%barrier3A)
    %mul3A_9 = arith.constant 10000 : i32
    %mul3A_10 = arith.muli %add3A, %mul3A_9 : i32
    %broadcast_in_dim3A_11 = arith.constant 1.000000e+00 : f32
    %broadcast_in_dim3A_12 = vector.broadcast %broadcast_in_dim3A_11 : f32 to vector<16xf32>
    %scan3A_13 = arith.constant 0 : i32
    %scan3A_14 = arith.constant 0 : i32
    %scan3A_15 = arith.constant 125 : i32
    %scan3A_16 = arith.addi %scan3A_14, %scan3A_15 : i32
    %scan3A_17 = arith.constant 1 : i32
    scf.for %scan3A_53 = %scan3A_14 to %scan3A_16 step %scan3A_17  : i32 {
      %mul3A_54 = arith.constant 80 : i32
      %mul3A_55 = arith.muli %scan3A_53, %mul3A_54 : i32
      %add3A_56 = arith.addi %mul3A_10, %mul3A_55 : i32
      "tpu.region"() ({
        %run_scoped3A = tpu.sem_alloc : memref<!tpu.dma_semaphore, #tpu.memory_space<semaphore_mem>>
        %dma_start3A_70 = tpu.memref_slice %arg3[%add3A_56] : memref<320000xi32, #tpu.memory_space<hbm>> -> memref<80xi32, #tpu.memory_space<hbm>>
        %dma_start3A_71 = tpu.memref_slice %arg3[%add3A_56] : memref<320000xi32, #tpu.memory_space<hbm>> -> memref<80xi32, #tpu.memory_space<hbm>>
        tpu.enqueue_dma source(%dma_start3A_71 : memref<80xi32, #tpu.memory_space<hbm>>) target(%arg8 : memref<80xi32, #tpu.memory_space<vmem>>) target_semaphore(%run_scoped3A : memref<!tpu.dma_semaphore, #tpu.memory_space<semaphore_mem>>)
        %dma_wait3A_72 = tpu.memref_slice %arg3[%add3A_56] : memref<320000xi32, #tpu.memory_space<hbm>> -> memref<80xi32, #tpu.memory_space<hbm>>
        %dma_wait3A_73 = tpu.memref_slice %arg3[%add3A_56] : memref<320000xi32, #tpu.memory_space<hbm>> -> memref<80xi32, #tpu.memory_space<hbm>>
        tpu.wait_dma2 semaphore(%run_scoped3A : memref<!tpu.dma_semaphore, #tpu.memory_space<semaphore_mem>>) src(%dma_wait3A_73 : memref<80xi32, #tpu.memory_space<hbm>>) dst(%arg8 : memref<80xi32, #tpu.memory_space<vmem>>)
        tpu.yield
      }) : () -> ()
      "tpu.region"() ({
        %run_scoped3A = tpu.sem_alloc : memref<!tpu.dma_semaphore, #tpu.memory_space<semaphore_mem>>
        %dma_start3A_70 = tpu.memref_slice %arg4[%add3A_56] : memref<320000xi32, #tpu.memory_space<hbm>> -> memref<80xi32, #tpu.memory_space<hbm>>
        %dma_start3A_71 = tpu.memref_slice %arg4[%add3A_56] : memref<320000xi32, #tpu.memory_space<hbm>> -> memref<80xi32, #tpu.memory_space<hbm>>
        tpu.enqueue_dma source(%dma_start3A_71 : memref<80xi32, #tpu.memory_space<hbm>>) target(%arg9 : memref<80xi32, #tpu.memory_space<vmem>>) target_semaphore(%run_scoped3A : memref<!tpu.dma_semaphore, #tpu.memory_space<semaphore_mem>>)
        %dma_wait3A_72 = tpu.memref_slice %arg4[%add3A_56] : memref<320000xi32, #tpu.memory_space<hbm>> -> memref<80xi32, #tpu.memory_space<hbm>>
        %dma_wait3A_73 = tpu.memref_slice %arg4[%add3A_56] : memref<320000xi32, #tpu.memory_space<hbm>> -> memref<80xi32, #tpu.memory_space<hbm>>
        tpu.wait_dma2 semaphore(%run_scoped3A : memref<!tpu.dma_semaphore, #tpu.memory_space<semaphore_mem>>) src(%dma_wait3A_73 : memref<80xi32, #tpu.memory_space<hbm>>) dst(%arg9 : memref<80xi32, #tpu.memory_space<vmem>>)
        tpu.yield
      }) : () -> ()
      %dma_start3A = arith.constant 0 : i32
      %dma_start3A_57 = arith.constant 0 : i32
      %dma_start3A_58 = tpu.memref_slice %arg2[%dma_start3A, %dma_start3A_57] : memref<10000x128xf32, #tpu.memory_space<hbm>> -> memref<10000x128xf32, #tpu.memory_space<hbm>>
      tpu.enqueue_indirect_dma source(%dma_start3A_58 : memref<10000x128xf32, #tpu.memory_space<hbm>>) target(%arg10 : memref<80x128xf32, #tpu.memory_space<vmem>>) offsets(%arg8 : memref<80xi32, #tpu.memory_space<vmem>>) semaphore(%arg15 : memref<!tpu.dma_semaphore, #tpu.memory_space<semaphore_mem>>)
      %dma_wait3A = arith.constant 0 : i32
      %dma_wait3A_59 = arith.constant 0 : i32
      %dma_wait3A_60 = tpu.memref_slice %arg2[%dma_wait3A, %dma_wait3A_59] : memref<10000x128xf32, #tpu.memory_space<hbm>> -> memref<10000x128xf32, #tpu.memory_space<hbm>>
      tpu.wait_indirect_dma semaphore(%arg15 : memref<!tpu.dma_semaphore, #tpu.memory_space<semaphore_mem>>) src(%dma_wait3A_60 : memref<10000x128xf32, #tpu.memory_space<hbm>>) dst(%arg10 : memref<80x128xf32, #tpu.memory_space<vmem>>)
      "tpu.region"() ({
        %run_scoped3A = tpu.sem_alloc : memref<!tpu.dma_semaphore, #tpu.memory_space<semaphore_mem>>
        %dma_start3A_70 = arith.constant 0 : i32
        %dma_start3A_71 = arith.constant 0 : i32
        %dma_start3A_72 = tpu.memref_slice %arg13[%dma_start3A_70, %dma_start3A_71] : memref<10000x128xf32, #tpu.memory_space<vmem_shared>> -> memref<10000x128xf32, #tpu.memory_space<vmem_shared>>
        tpu.enqueue_indirect_dma source(%arg10 : memref<80x128xf32, #tpu.memory_space<vmem>>) target(%dma_start3A_72 : memref<10000x128xf32, #tpu.memory_space<vmem_shared>>) offsets(%arg9 : memref<80xi32, #tpu.memory_space<vmem>>) semaphore(%run_scoped3A : memref<!tpu.dma_semaphore, #tpu.memory_space<semaphore_mem>>) {add = true}
        %dma_wait3A_73 = arith.constant 0 : i32
        %dma_wait3A_74 = arith.constant 0 : i32
        %dma_wait3A_75 = tpu.memref_slice %arg13[%dma_wait3A_73, %dma_wait3A_74] : memref<10000x128xf32, #tpu.memory_space<vmem_shared>> -> memref<10000x128xf32, #tpu.memory_space<vmem_shared>>
        tpu.wait_indirect_dma semaphore(%run_scoped3A : memref<!tpu.dma_semaphore, #tpu.memory_space<semaphore_mem>>) src(%arg10 : memref<80x128xf32, #tpu.memory_space<vmem>>) dst(%dma_wait3A_75 : memref<10000x128xf32, #tpu.memory_space<vmem_shared>>)
        tpu.yield
      }) : () -> ()
      %get3A = arith.constant 0 : index
      %get3A_61 = tpu.vector_load %arg9[%get3A] {strides = array<i32>} : memref<80xi32, #tpu.memory_space<vmem>>, vector<16xi32>,
      tpu.vector_store_idx %arg11[%get3A_61], %broadcast_in_dim3A_12 {add = true} : memref<10000xf32, #tpu.memory_space<vmem>>[vector<16xi32>], vector<16xf32>,
      %get3A_62 = arith.constant 16 : index
      %get3A_63 = tpu.vector_load %arg9[%get3A_62] {strides = array<i32>} : memref<80xi32, #tpu.memory_space<vmem>>, vector<16xi32>,
      tpu.vector_store_idx %arg11[%get3A_63], %broadcast_in_dim3A_12 {add = true} : memref<10000xf32, #tpu.memory_space<vmem>>[vector<16xi32>], vector<16xf32>,
      %get3A_64 = arith.constant 32 : index
      %get3A_65 = tpu.vector_load %arg9[%get3A_64] {strides = array<i32>} : memref<80xi32, #tpu.memory_space<vmem>>, vector<16xi32>,
      tpu.vector_store_idx %arg11[%get3A_65], %broadcast_in_dim3A_12 {add = true} : memref<10000xf32, #tpu.memory_space<vmem>>[vector<16xi32>], vector<16xf32>,
      %get3A_66 = arith.constant 48 : index
      %get3A_67 = tpu.vector_load %arg9[%get3A_66] {strides = array<i32>} : memref<80xi32, #tpu.memory_space<vmem>>, vector<16xi32>,
      tpu.vector_store_idx %arg11[%get3A_67], %broadcast_in_dim3A_12 {add = true} : memref<10000xf32, #tpu.memory_space<vmem>>[vector<16xi32>], vector<16xf32>,
      %get3A_68 = arith.constant 64 : index
      %get3A_69 = tpu.vector_load %arg9[%get3A_68] {strides = array<i32>} : memref<80xi32, #tpu.memory_space<vmem>>, vector<16xi32>,
      tpu.vector_store_idx %arg11[%get3A_69], %broadcast_in_dim3A_12 {add = true} : memref<10000xf32, #tpu.memory_space<vmem>>[vector<16xi32>], vector<16xf32>,
    }
    %scan3A_18 = arith.constant 125 : i32
    "tpu.region"() ({
      %run_scoped3A = tpu.sem_alloc : memref<!tpu.dma_semaphore, #tpu.memory_space<semaphore_mem>>
      %dma_start3A = arith.constant 0 : i32
      %dma_start3A_53 = tpu.memref_slice %arg14[%arg1, %dma_start3A] : memref<16x10000xf32, #tpu.memory_space<vmem_shared>> -> memref<1x10000xf32, #tpu.memory_space<vmem_shared>>
      %dma_start3A_54 = tpu.memref_squeeze %dma_start3A_53 : memref<1x10000xf32, #tpu.memory_space<vmem_shared>> -> memref<10000xf32, #tpu.memory_space<vmem_shared>>
      %dma_start3A_55 = arith.constant 0 : i32
      %dma_start3A_56 = tpu.memref_slice %arg14[%arg1, %dma_start3A_55] : memref<16x10000xf32, #tpu.memory_space<vmem_shared>> -> memref<1x10000xf32, #tpu.memory_space<vmem_shared>>
      %dma_start3A_57 = tpu.memref_squeeze %dma_start3A_56 : memref<1x10000xf32, #tpu.memory_space<vmem_shared>> -> memref<10000xf32, #tpu.memory_space<vmem_shared>>
      tpu.enqueue_dma source(%arg11 : memref<10000xf32, #tpu.memory_space<vmem>>) target(%dma_start3A_57 : memref<10000xf32, #tpu.memory_space<vmem_shared>>) target_semaphore(%run_scoped3A : memref<!tpu.dma_semaphore, #tpu.memory_space<semaphore_mem>>)
      %dma_wait3A = arith.constant 0 : i32
      %dma_wait3A_58 = tpu.memref_slice %arg14[%arg1, %dma_wait3A] : memref<16x10000xf32, #tpu.memory_space<vmem_shared>> -> memref<1x10000xf32, #tpu.memory_space<vmem_shared>>
      %dma_wait3A_59 = tpu.memref_squeeze %dma_wait3A_58 : memref<1x10000xf32, #tpu.memory_space<vmem_shared>> -> memref<10000xf32, #tpu.memory_space<vmem_shared>>
      %dma_wait3A_60 = arith.constant 0 : i32
      %dma_wait3A_61 = tpu.memref_slice %arg14[%arg1, %dma_wait3A_60] : memref<16x10000xf32, #tpu.memory_space<vmem_shared>> -> memref<1x10000xf32, #tpu.memory_space<vmem_shared>>
      %dma_wait3A_62 = tpu.memref_squeeze %dma_wait3A_61 : memref<1x10000xf32, #tpu.memory_space<vmem_shared>> -> memref<10000xf32, #tpu.memory_space<vmem_shared>>
      tpu.wait_dma2 semaphore(%run_scoped3A : memref<!tpu.dma_semaphore, #tpu.memory_space<semaphore_mem>>) src(%arg11 : memref<10000xf32, #tpu.memory_space<vmem>>) dst(%dma_wait3A_62 : memref<10000xf32, #tpu.memory_space<vmem_shared>>)
      tpu.yield
    }) : () -> ()
    %barrier3A_19 = arith.constant 0 : index
    tpu.barrier barrier_id(%barrier3A_19)
    %lt3A_20 = arith.constant 10 : i32
    %lt3A_21 = arith.cmpi slt, %arg1, %lt3A_20 : i32
    %convert_element_type3A_22 = arith.extui %lt3A_21 : i1 to i32
    %cond3A_23 = arith.constant 0 : i32
    %cond3A_24 = arith.cmpi ne, %convert_element_type3A_22, %cond3A_23 : i32
    scf.if %cond3A_24 {
      %mul3A_53 = arith.constant 1000 : i32
      %mul3A_54 = arith.muli %arg1, %mul3A_53 : i32
      %mul3A_55 = arith.constant 1000 : i32
      %mul3A_56 = arith.muli %arg1, %mul3A_55 : i32
      "tpu.region"() ({
        %run_scoped3A = tpu.sem_alloc : memref<!tpu.dma_semaphore, #tpu.memory_space<semaphore_mem>>
        %dma_start3A = arith.constant 0 : i32
        %dma_start3A_57 = tpu.memref_slice %arg6[%arg0, %mul3A_56, %dma_start3A] : memref<2x10000x128xf32, #tpu.memory_space<hbm>> -> memref<1x1000x128xf32, #tpu.memory_space<hbm>>
        %dma_start3A_58 = tpu.memref_squeeze %dma_start3A_57 : memref<1x1000x128xf32, #tpu.memory_space<hbm>> -> memref<1000x128xf32, #tpu.memory_space<hbm>>
        %dma_start3A_59 = arith.constant 0 : i32
        %dma_start3A_60 = tpu.memref_slice %arg13[%mul3A_54, %dma_start3A_59] : memref<10000x128xf32, #tpu.memory_space<vmem_shared>> -> memref<1000x128xf32, #tpu.memory_space<vmem_shared>>
        tpu.enqueue_dma source(%dma_start3A_60 : memref<1000x128xf32, #tpu.memory_space<vmem_shared>>) target(%dma_start3A_58 : memref<1000x128xf32, #tpu.memory_space<hbm>>) target_semaphore(%run_scoped3A : memref<!tpu.dma_semaphore, #tpu.memory_space<semaphore_mem>>)
        %dma_wait3A = arith.constant 0 : i32
        %dma_wait3A_61 = tpu.memref_slice %arg6[%arg0, %mul3A_56, %dma_wait3A] : memref<2x10000x128xf32, #tpu.memory_space<hbm>> -> memref<1x1000x128xf32, #tpu.memory_space<hbm>>
        %dma_wait3A_62 = tpu.memref_squeeze %dma_wait3A_61 : memref<1x1000x128xf32, #tpu.memory_space<hbm>> -> memref<1000x128xf32, #tpu.memory_space<hbm>>
        %dma_wait3A_63 = arith.constant 0 : i32
        %dma_wait3A_64 = tpu.memref_slice %arg13[%mul3A_54, %dma_wait3A_63] : memref<10000x128xf32, #tpu.memory_space<vmem_shared>> -> memref<1000x128xf32, #tpu.memory_space<vmem_shared>>
        tpu.wait_dma2 semaphore(%run_scoped3A : memref<!tpu.dma_semaphore, #tpu.memory_space<semaphore_mem>>) src(%dma_wait3A_64 : memref<1000x128xf32, #tpu.memory_space<vmem_shared>>) dst(%dma_wait3A_62 : memref<1000x128xf32, #tpu.memory_space<hbm>>)
        tpu.yield
      }) : () -> ()
    } else {
    }
    %lt3A_25 = arith.constant 8 : i32
    %lt3A_26 = arith.cmpi slt, %arg1, %lt3A_25 : i32
    %convert_element_type3A_27 = arith.extui %lt3A_26 : i1 to i32
    %cond3A_28 = arith.constant 0 : i32
    %cond3A_29 = arith.cmpi ne, %convert_element_type3A_27, %cond3A_28 : i32
    scf.if %cond3A_29 {
      %add3A_53 = arith.constant 8 : i32
      %add3A_54 = arith.addi %arg1, %add3A_53 : i32
      "tpu.region"() ({
        %run_scoped3A = tpu.sem_alloc : memref<!tpu.dma_semaphore, #tpu.memory_space<semaphore_mem>>
        %dma_start3A = arith.constant 0 : i32
        %dma_start3A_61 = tpu.memref_slice %arg14[%add3A_54, %dma_start3A] : memref<16x10000xf32, #tpu.memory_space<vmem_shared>> -> memref<1x10000xf32, #tpu.memory_space<vmem_shared>>
        %dma_start3A_62 = tpu.memref_squeeze %dma_start3A_61 : memref<1x10000xf32, #tpu.memory_space<vmem_shared>> -> memref<10000xf32, #tpu.memory_space<vmem_shared>>
        %dma_start3A_63 = arith.constant 0 : i32
        %dma_start3A_64 = tpu.memref_slice %arg14[%add3A_54, %dma_start3A_63] : memref<16x10000xf32, #tpu.memory_space<vmem_shared>> -> memref<1x10000xf32, #tpu.memory_space<vmem_shared>>
        %dma_start3A_65 = tpu.memref_squeeze %dma_start3A_64 : memref<1x10000xf32, #tpu.memory_space<vmem_shared>> -> memref<10000xf32, #tpu.memory_space<vmem_shared>>
        tpu.enqueue_dma source(%dma_start3A_65 : memref<10000xf32, #tpu.memory_space<vmem_shared>>) target(%arg12 : memref<10000xf32, #tpu.memory_space<vmem>>) target_semaphore(%run_scoped3A : memref<!tpu.dma_semaphore, #tpu.memory_space<semaphore_mem>>)
        %dma_wait3A = arith.constant 0 : i32
        %dma_wait3A_66 = tpu.memref_slice %arg14[%add3A_54, %dma_wait3A] : memref<16x10000xf32, #tpu.memory_space<vmem_shared>> -> memref<1x10000xf32, #tpu.memory_space<vmem_shared>>
        %dma_wait3A_67 = tpu.memref_squeeze %dma_wait3A_66 : memref<1x10000xf32, #tpu.memory_space<vmem_shared>> -> memref<10000xf32, #tpu.memory_space<vmem_shared>>
        %dma_wait3A_68 = arith.constant 0 : i32
        %dma_wait3A_69 = tpu.memref_slice %arg14[%add3A_54, %dma_wait3A_68] : memref<16x10000xf32, #tpu.memory_space<vmem_shared>> -> memref<1x10000xf32, #tpu.memory_space<vmem_shared>>
        %dma_wait3A_70 = tpu.memref_squeeze %dma_wait3A_69 : memref<1x10000xf32, #tpu.memory_space<vmem_shared>> -> memref<10000xf32, #tpu.memory_space<vmem_shared>>
        tpu.wait_dma2 semaphore(%run_scoped3A : memref<!tpu.dma_semaphore, #tpu.memory_space<semaphore_mem>>) src(%dma_wait3A_70 : memref<10000xf32, #tpu.memory_space<vmem_shared>>) dst(%arg12 : memref<10000xf32, #tpu.memory_space<vmem>>)
        tpu.yield
      }) : () -> ()
      %scan3A_55 = arith.constant 0 : i32
      %scan3A_56 = arith.constant 0 : i32
      %scan3A_57 = arith.constant 625 : i32
      %scan3A_58 = arith.addi %scan3A_56, %scan3A_57 : i32
      %scan3A_59 = arith.constant 1 : i32
      scf.for %scan3A_61 = %scan3A_56 to %scan3A_58 step %scan3A_59  : i32 {
        %mul3A_62 = arith.constant 16 : i32
        %mul3A_63 = arith.muli %scan3A_61, %mul3A_62 : i32
        %get3A = arith.index_cast %mul3A_63 : i32 to index
        %get3A_64 = tpu.vector_load %arg11[%get3A] {strides = array<i32>} : memref<10000xf32, #tpu.memory_space<vmem>>, vector<16xf32>,
        %get3A_65 = arith.index_cast %mul3A_63 : i32 to index
        %get3A_66 = tpu.vector_load %arg12[%get3A_65] {strides = array<i32>} : memref<10000xf32, #tpu.memory_space<vmem>>, vector<16xf32>,
        %add3A_67 = arith.addf %get3A_64, %get3A_66 : vector<16xf32>
        %swap3A = arith.index_cast %mul3A_63 : i32 to index
        %swap3A_68 = tpu.vector_load %arg11[%swap3A] {strides = array<i32>} : memref<10000xf32, #tpu.memory_space<vmem>>, vector<16xf32>,
        tpu.vector_store %arg11[%swap3A], %add3A_67 {strides = array<i32>} : memref<10000xf32, #tpu.memory_space<vmem>>, vector<16xf32>,
      }
      %scan3A_60 = arith.constant 625 : i32
      "tpu.region"() ({
        %run_scoped3A = tpu.sem_alloc : memref<!tpu.dma_semaphore, #tpu.memory_space<semaphore_mem>>
        %dma_start3A = arith.constant 0 : i32
        %dma_start3A_61 = tpu.memref_slice %arg14[%arg1, %dma_start3A] : memref<16x10000xf32, #tpu.memory_space<vmem_shared>> -> memref<1x10000xf32, #tpu.memory_space<vmem_shared>>
        %dma_start3A_62 = tpu.memref_squeeze %dma_start3A_61 : memref<1x10000xf32, #tpu.memory_space<vmem_shared>> -> memref<10000xf32, #tpu.memory_space<vmem_shared>>
        %dma_start3A_63 = arith.constant 0 : i32
        %dma_start3A_64 = tpu.memref_slice %arg14[%arg1, %dma_start3A_63] : memref<16x10000xf32, #tpu.memory_space<vmem_shared>> -> memref<1x10000xf32, #tpu.memory_space<vmem_shared>>
        %dma_start3A_65 = tpu.memref_squeeze %dma_start3A_64 : memref<1x10000xf32, #tpu.memory_space<vmem_shared>> -> memref<10000xf32, #tpu.memory_space<vmem_shared>>
        tpu.enqueue_dma source(%arg11 : memref<10000xf32, #tpu.memory_space<vmem>>) target(%dma_start3A_65 : memref<10000xf32, #tpu.memory_space<vmem_shared>>) target_semaphore(%run_scoped3A : memref<!tpu.dma_semaphore, #tpu.memory_space<semaphore_mem>>)
        %dma_wait3A = arith.constant 0 : i32
        %dma_wait3A_66 = tpu.memref_slice %arg14[%arg1, %dma_wait3A] : memref<16x10000xf32, #tpu.memory_space<vmem_shared>> -> memref<1x10000xf32, #tpu.memory_space<vmem_shared>>
        %dma_wait3A_67 = tpu.memref_squeeze %dma_wait3A_66 : memref<1x10000xf32, #tpu.memory_space<vmem_shared>> -> memref<10000xf32, #tpu.memory_space<vmem_shared>>
        %dma_wait3A_68 = arith.constant 0 : i32
        %dma_wait3A_69 = tpu.memref_slice %arg14[%arg1, %dma_wait3A_68] : memref<16x10000xf32, #tpu.memory_space<vmem_shared>> -> memref<1x10000xf32, #tpu.memory_space<vmem_shared>>
        %dma_wait3A_70 = tpu.memref_squeeze %dma_wait3A_69 : memref<1x10000xf32, #tpu.memory_space<vmem_shared>> -> memref<10000xf32, #tpu.memory_space<vmem_shared>>
        tpu.wait_dma2 semaphore(%run_scoped3A : memref<!tpu.dma_semaphore, #tpu.memory_space<semaphore_mem>>) src(%arg11 : memref<10000xf32, #tpu.memory_space<vmem>>) dst(%dma_wait3A_70 : memref<10000xf32, #tpu.memory_space<vmem_shared>>)
        tpu.yield
      }) : () -> ()
    } else {
    }
    %barrier3A_30 = arith.constant 0 : index
    tpu.barrier barrier_id(%barrier3A_30)
    %lt3A_31 = arith.constant 4 : i32
    %lt3A_32 = arith.cmpi slt, %arg1, %lt3A_31 : i32
    %convert_element_type3A_33 = arith.extui %lt3A_32 : i1 to i32
    %cond3A_34 = arith.constant 0 : i32
    %cond3A_35 = arith.cmpi ne, %convert_element_type3A_33, %cond3A_34 : i32
    scf.if %cond3A_35 {
      %add3A_53 = arith.constant 4 : i32
      %add3A_54 = arith.addi %arg1, %add3A_53 : i32
      "tpu.region"() ({
        %run_scoped3A = tpu.sem_alloc : memref<!tpu.dma_semaphore, #tpu.memory_space<semaphore_mem>>
        %dma_start3A = arith.constant 0 : i32
        %dma_start3A_61 = tpu.memref_slice %arg14[%add3A_54, %dma_start3A] : memref<16x10000xf32, #tpu.memory_space<vmem_shared>> -> memref<1x10000xf32, #tpu.memory_space<vmem_shared>>
        %dma_start3A_62 = tpu.memref_squeeze %dma_start3A_61 : memref<1x10000xf32, #tpu.memory_space<vmem_shared>> -> memref<10000xf32, #tpu.memory_space<vmem_shared>>
        %dma_start3A_63 = arith.constant 0 : i32
        %dma_start3A_64 = tpu.memref_slice %arg14[%add3A_54, %dma_start3A_63] : memref<16x10000xf32, #tpu.memory_space<vmem_shared>> -> memref<1x10000xf32, #tpu.memory_space<vmem_shared>>
        %dma_start3A_65 = tpu.memref_squeeze %dma_start3A_64 : memref<1x10000xf32, #tpu.memory_space<vmem_shared>> -> memref<10000xf32, #tpu.memory_space<vmem_shared>>
        tpu.enqueue_dma source(%dma_start3A_65 : memref<10000xf32, #tpu.memory_space<vmem_shared>>) target(%arg12 : memref<10000xf32, #tpu.memory_space<vmem>>) target_semaphore(%run_scoped3A : memref<!tpu.dma_semaphore, #tpu.memory_space<semaphore_mem>>)
        %dma_wait3A = arith.constant 0 : i32
        %dma_wait3A_66 = tpu.memref_slice %arg14[%add3A_54, %dma_wait3A] : memref<16x10000xf32, #tpu.memory_space<vmem_shared>> -> memref<1x10000xf32, #tpu.memory_space<vmem_shared>>
        %dma_wait3A_67 = tpu.memref_squeeze %dma_wait3A_66 : memref<1x10000xf32, #tpu.memory_space<vmem_shared>> -> memref<10000xf32, #tpu.memory_space<vmem_shared>>
        %dma_wait3A_68 = arith.constant 0 : i32
        %dma_wait3A_69 = tpu.memref_slice %arg14[%add3A_54, %dma_wait3A_68] : memref<16x10000xf32, #tpu.memory_space<vmem_shared>> -> memref<1x10000xf32, #tpu.memory_space<vmem_shared>>
        %dma_wait3A_70 = tpu.memref_squeeze %dma_wait3A_69 : memref<1x10000xf32, #tpu.memory_space<vmem_shared>> -> memref<10000xf32, #tpu.memory_space<vmem_shared>>
        tpu.wait_dma2 semaphore(%run_scoped3A : memref<!tpu.dma_semaphore, #tpu.memory_space<semaphore_mem>>) src(%dma_wait3A_70 : memref<10000xf32, #tpu.memory_space<vmem_shared>>) dst(%arg12 : memref<10000xf32, #tpu.memory_space<vmem>>)
        tpu.yield
      }) : () -> ()
      %scan3A_55 = arith.constant 0 : i32
      %scan3A_56 = arith.constant 0 : i32
      %scan3A_57 = arith.constant 625 : i32
      %scan3A_58 = arith.addi %scan3A_56, %scan3A_57 : i32
      %scan3A_59 = arith.constant 1 : i32
      scf.for %scan3A_61 = %scan3A_56 to %scan3A_58 step %scan3A_59  : i32 {
        %mul3A_62 = arith.constant 16 : i32
        %mul3A_63 = arith.muli %scan3A_61, %mul3A_62 : i32
        %get3A = arith.index_cast %mul3A_63 : i32 to index
        %get3A_64 = tpu.vector_load %arg11[%get3A] {strides = array<i32>} : memref<10000xf32, #tpu.memory_space<vmem>>, vector<16xf32>,
        %get3A_65 = arith.index_cast %mul3A_63 : i32 to index
        %get3A_66 = tpu.vector_load %arg12[%get3A_65] {strides = array<i32>} : memref<10000xf32, #tpu.memory_space<vmem>>, vector<16xf32>,
        %add3A_67 = arith.addf %get3A_64, %get3A_66 : vector<16xf32>
        %swap3A = arith.index_cast %mul3A_63 : i32 to index
        %swap3A_68 = tpu.vector_load %arg11[%swap3A] {strides = array<i32>} : memref<10000xf32, #tpu.memory_space<vmem>>, vector<16xf32>,
        tpu.vector_store %arg11[%swap3A], %add3A_67 {strides = array<i32>} : memref<10000xf32, #tpu.memory_space<vmem>>, vector<16xf32>,
      }
      %scan3A_60 = arith.constant 625 : i32
      "tpu.region"() ({
        %run_scoped3A = tpu.sem_alloc : memref<!tpu.dma_semaphore, #tpu.memory_space<semaphore_mem>>
        %dma_start3A = arith.constant 0 : i32
        %dma_start3A_61 = tpu.memref_slice %arg14[%arg1, %dma_start3A] : memref<16x10000xf32, #tpu.memory_space<vmem_shared>> -> memref<1x10000xf32, #tpu.memory_space<vmem_shared>>
        %dma_start3A_62 = tpu.memref_squeeze %dma_start3A_61 : memref<1x10000xf32, #tpu.memory_space<vmem_shared>> -> memref<10000xf32, #tpu.memory_space<vmem_shared>>
        %dma_start3A_63 = arith.constant 0 : i32
        %dma_start3A_64 = tpu.memref_slice %arg14[%arg1, %dma_start3A_63] : memref<16x10000xf32, #tpu.memory_space<vmem_shared>> -> memref<1x10000xf32, #tpu.memory_space<vmem_shared>>
        %dma_start3A_65 = tpu.memref_squeeze %dma_start3A_64 : memref<1x10000xf32, #tpu.memory_space<vmem_shared>> -> memref<10000xf32, #tpu.memory_space<vmem_shared>>
        tpu.enqueue_dma source(%arg11 : memref<10000xf32, #tpu.memory_space<vmem>>) target(%dma_start3A_65 : memref<10000xf32, #tpu.memory_space<vmem_shared>>) target_semaphore(%run_scoped3A : memref<!tpu.dma_semaphore, #tpu.memory_space<semaphore_mem>>)
        %dma_wait3A = arith.constant 0 : i32
        %dma_wait3A_66 = tpu.memref_slice %arg14[%arg1, %dma_wait3A] : memref<16x10000xf32, #tpu.memory_space<vmem_shared>> -> memref<1x10000xf32, #tpu.memory_space<vmem_shared>>
        %dma_wait3A_67 = tpu.memref_squeeze %dma_wait3A_66 : memref<1x10000xf32, #tpu.memory_space<vmem_shared>> -> memref<10000xf32, #tpu.memory_space<vmem_shared>>
        %dma_wait3A_68 = arith.constant 0 : i32
        %dma_wait3A_69 = tpu.memref_slice %arg14[%arg1, %dma_wait3A_68] : memref<16x10000xf32, #tpu.memory_space<vmem_shared>> -> memref<1x10000xf32, #tpu.memory_space<vmem_shared>>
        %dma_wait3A_70 = tpu.memref_squeeze %dma_wait3A_69 : memref<1x10000xf32, #tpu.memory_space<vmem_shared>> -> memref<10000xf32, #tpu.memory_space<vmem_shared>>
        tpu.wait_dma2 semaphore(%run_scoped3A : memref<!tpu.dma_semaphore, #tpu.memory_space<semaphore_mem>>) src(%arg11 : memref<10000xf32, #tpu.memory_space<vmem>>) dst(%dma_wait3A_70 : memref<10000xf32, #tpu.memory_space<vmem_shared>>)
        tpu.yield
      }) : () -> ()
    } else {
    }
    %barrier3A_36 = arith.constant 0 : index
    tpu.barrier barrier_id(%barrier3A_36)
    %lt3A_37 = arith.constant 2 : i32
    %lt3A_38 = arith.cmpi slt, %arg1, %lt3A_37 : i32
    %convert_element_type3A_39 = arith.extui %lt3A_38 : i1 to i32
    %cond3A_40 = arith.constant 0 : i32
    %cond3A_41 = arith.cmpi ne, %convert_element_type3A_39, %cond3A_40 : i32
    scf.if %cond3A_41 {
      %add3A_53 = arith.constant 2 : i32
      %add3A_54 = arith.addi %arg1, %add3A_53 : i32
      "tpu.region"() ({
        %run_scoped3A = tpu.sem_alloc : memref<!tpu.dma_semaphore, #tpu.memory_space<semaphore_mem>>
        %dma_start3A = arith.constant 0 : i32
        %dma_start3A_61 = tpu.memref_slice %arg14[%add3A_54, %dma_start3A] : memref<16x10000xf32, #tpu.memory_space<vmem_shared>> -> memref<1x10000xf32, #tpu.memory_space<vmem_shared>>
        %dma_start3A_62 = tpu.memref_squeeze %dma_start3A_61 : memref<1x10000xf32, #tpu.memory_space<vmem_shared>> -> memref<10000xf32, #tpu.memory_space<vmem_shared>>
        %dma_start3A_63 = arith.constant 0 : i32
        %dma_start3A_64 = tpu.memref_slice %arg14[%add3A_54, %dma_start3A_63] : memref<16x10000xf32, #tpu.memory_space<vmem_shared>> -> memref<1x10000xf32, #tpu.memory_space<vmem_shared>>
        %dma_start3A_65 = tpu.memref_squeeze %dma_start3A_64 : memref<1x10000xf32, #tpu.memory_space<vmem_shared>> -> memref<10000xf32, #tpu.memory_space<vmem_shared>>
        tpu.enqueue_dma source(%dma_start3A_65 : memref<10000xf32, #tpu.memory_space<vmem_shared>>) target(%arg12 : memref<10000xf32, #tpu.memory_space<vmem>>) target_semaphore(%run_scoped3A : memref<!tpu.dma_semaphore, #tpu.memory_space<semaphore_mem>>)
        %dma_wait3A = arith.constant 0 : i32
        %dma_wait3A_66 = tpu.memref_slice %arg14[%add3A_54, %dma_wait3A] : memref<16x10000xf32, #tpu.memory_space<vmem_shared>> -> memref<1x10000xf32, #tpu.memory_space<vmem_shared>>
        %dma_wait3A_67 = tpu.memref_squeeze %dma_wait3A_66 : memref<1x10000xf32, #tpu.memory_space<vmem_shared>> -> memref<10000xf32, #tpu.memory_space<vmem_shared>>
        %dma_wait3A_68 = arith.constant 0 : i32
        %dma_wait3A_69 = tpu.memref_slice %arg14[%add3A_54, %dma_wait3A_68] : memref<16x10000xf32, #tpu.memory_space<vmem_shared>> -> memref<1x10000xf32, #tpu.memory_space<vmem_shared>>
        %dma_wait3A_70 = tpu.memref_squeeze %dma_wait3A_69 : memref<1x10000xf32, #tpu.memory_space<vmem_shared>> -> memref<10000xf32, #tpu.memory_space<vmem_shared>>
        tpu.wait_dma2 semaphore(%run_scoped3A : memref<!tpu.dma_semaphore, #tpu.memory_space<semaphore_mem>>) src(%dma_wait3A_70 : memref<10000xf32, #tpu.memory_space<vmem_shared>>) dst(%arg12 : memref<10000xf32, #tpu.memory_space<vmem>>)
        tpu.yield
      }) : () -> ()
      %scan3A_55 = arith.constant 0 : i32
      %scan3A_56 = arith.constant 0 : i32
      %scan3A_57 = arith.constant 625 : i32
      %scan3A_58 = arith.addi %scan3A_56, %scan3A_57 : i32
      %scan3A_59 = arith.constant 1 : i32
      scf.for %scan3A_61 = %scan3A_56 to %scan3A_58 step %scan3A_59  : i32 {
        %mul3A_62 = arith.constant 16 : i32
        %mul3A_63 = arith.muli %scan3A_61, %mul3A_62 : i32
        %get3A = arith.index_cast %mul3A_63 : i32 to index
        %get3A_64 = tpu.vector_load %arg11[%get3A] {strides = array<i32>} : memref<10000xf32, #tpu.memory_space<vmem>>, vector<16xf32>,
        %get3A_65 = arith.index_cast %mul3A_63 : i32 to index
        %get3A_66 = tpu.vector_load %arg12[%get3A_65] {strides = array<i32>} : memref<10000xf32, #tpu.memory_space<vmem>>, vector<16xf32>,
        %add3A_67 = arith.addf %get3A_64, %get3A_66 : vector<16xf32>
        %swap3A = arith.index_cast %mul3A_63 : i32 to index
        %swap3A_68 = tpu.vector_load %arg11[%swap3A] {strides = array<i32>} : memref<10000xf32, #tpu.memory_space<vmem>>, vector<16xf32>,
        tpu.vector_store %arg11[%swap3A], %add3A_67 {strides = array<i32>} : memref<10000xf32, #tpu.memory_space<vmem>>, vector<16xf32>,
      }
      %scan3A_60 = arith.constant 625 : i32
      "tpu.region"() ({
        %run_scoped3A = tpu.sem_alloc : memref<!tpu.dma_semaphore, #tpu.memory_space<semaphore_mem>>
        %dma_start3A = arith.constant 0 : i32
        %dma_start3A_61 = tpu.memref_slice %arg14[%arg1, %dma_start3A] : memref<16x10000xf32, #tpu.memory_space<vmem_shared>> -> memref<1x10000xf32, #tpu.memory_space<vmem_shared>>
        %dma_start3A_62 = tpu.memref_squeeze %dma_start3A_61 : memref<1x10000xf32, #tpu.memory_space<vmem_shared>> -> memref<10000xf32, #tpu.memory_space<vmem_shared>>
        %dma_start3A_63 = arith.constant 0 : i32
        %dma_start3A_64 = tpu.memref_slice %arg14[%arg1, %dma_start3A_63] : memref<16x10000xf32, #tpu.memory_space<vmem_shared>> -> memref<1x10000xf32, #tpu.memory_space<vmem_shared>>
        %dma_start3A_65 = tpu.memref_squeeze %dma_start3A_64 : memref<1x10000xf32, #tpu.memory_space<vmem_shared>> -> memref<10000xf32, #tpu.memory_space<vmem_shared>>
        tpu.enqueue_dma source(%arg11 : memref<10000xf32, #tpu.memory_space<vmem>>) target(%dma_start3A_65 : memref<10000xf32, #tpu.memory_space<vmem_shared>>) target_semaphore(%run_scoped3A : memref<!tpu.dma_semaphore, #tpu.memory_space<semaphore_mem>>)
        %dma_wait3A = arith.constant 0 : i32
        %dma_wait3A_66 = tpu.memref_slice %arg14[%arg1, %dma_wait3A] : memref<16x10000xf32, #tpu.memory_space<vmem_shared>> -> memref<1x10000xf32, #tpu.memory_space<vmem_shared>>
        %dma_wait3A_67 = tpu.memref_squeeze %dma_wait3A_66 : memref<1x10000xf32, #tpu.memory_space<vmem_shared>> -> memref<10000xf32, #tpu.memory_space<vmem_shared>>
        %dma_wait3A_68 = arith.constant 0 : i32
        %dma_wait3A_69 = tpu.memref_slice %arg14[%arg1, %dma_wait3A_68] : memref<16x10000xf32, #tpu.memory_space<vmem_shared>> -> memref<1x10000xf32, #tpu.memory_space<vmem_shared>>
        %dma_wait3A_70 = tpu.memref_squeeze %dma_wait3A_69 : memref<1x10000xf32, #tpu.memory_space<vmem_shared>> -> memref<10000xf32, #tpu.memory_space<vmem_shared>>
        tpu.wait_dma2 semaphore(%run_scoped3A : memref<!tpu.dma_semaphore, #tpu.memory_space<semaphore_mem>>) src(%arg11 : memref<10000xf32, #tpu.memory_space<vmem>>) dst(%dma_wait3A_70 : memref<10000xf32, #tpu.memory_space<vmem_shared>>)
        tpu.yield
      }) : () -> ()
    } else {
    }
    %barrier3A_42 = arith.constant 0 : index
    tpu.barrier barrier_id(%barrier3A_42)
    %lt3A_43 = arith.constant 1 : i32
    %lt3A_44 = arith.cmpi slt, %arg1, %lt3A_43 : i32
    %convert_element_type3A_45 = arith.extui %lt3A_44 : i1 to i32
    %cond3A_46 = arith.constant 0 : i32
    %cond3A_47 = arith.cmpi ne, %convert_element_type3A_45, %cond3A_46 : i32
    scf.if %cond3A_47 {
      %add3A_53 = arith.constant 1 : i32
      %add3A_54 = arith.addi %arg1, %add3A_53 : i32
      "tpu.region"() ({
        %run_scoped3A = tpu.sem_alloc : memref<!tpu.dma_semaphore, #tpu.memory_space<semaphore_mem>>
        %dma_start3A = arith.constant 0 : i32
        %dma_start3A_61 = tpu.memref_slice %arg14[%add3A_54, %dma_start3A] : memref<16x10000xf32, #tpu.memory_space<vmem_shared>> -> memref<1x10000xf32, #tpu.memory_space<vmem_shared>>
        %dma_start3A_62 = tpu.memref_squeeze %dma_start3A_61 : memref<1x10000xf32, #tpu.memory_space<vmem_shared>> -> memref<10000xf32, #tpu.memory_space<vmem_shared>>
        %dma_start3A_63 = arith.constant 0 : i32
        %dma_start3A_64 = tpu.memref_slice %arg14[%add3A_54, %dma_start3A_63] : memref<16x10000xf32, #tpu.memory_space<vmem_shared>> -> memref<1x10000xf32, #tpu.memory_space<vmem_shared>>
        %dma_start3A_65 = tpu.memref_squeeze %dma_start3A_64 : memref<1x10000xf32, #tpu.memory_space<vmem_shared>> -> memref<10000xf32, #tpu.memory_space<vmem_shared>>
        tpu.enqueue_dma source(%dma_start3A_65 : memref<10000xf32, #tpu.memory_space<vmem_shared>>) target(%arg12 : memref<10000xf32, #tpu.memory_space<vmem>>) target_semaphore(%run_scoped3A : memref<!tpu.dma_semaphore, #tpu.memory_space<semaphore_mem>>)
        %dma_wait3A = arith.constant 0 : i32
        %dma_wait3A_66 = tpu.memref_slice %arg14[%add3A_54, %dma_wait3A] : memref<16x10000xf32, #tpu.memory_space<vmem_shared>> -> memref<1x10000xf32, #tpu.memory_space<vmem_shared>>
        %dma_wait3A_67 = tpu.memref_squeeze %dma_wait3A_66 : memref<1x10000xf32, #tpu.memory_space<vmem_shared>> -> memref<10000xf32, #tpu.memory_space<vmem_shared>>
        %dma_wait3A_68 = arith.constant 0 : i32
        %dma_wait3A_69 = tpu.memref_slice %arg14[%add3A_54, %dma_wait3A_68] : memref<16x10000xf32, #tpu.memory_space<vmem_shared>> -> memref<1x10000xf32, #tpu.memory_space<vmem_shared>>
        %dma_wait3A_70 = tpu.memref_squeeze %dma_wait3A_69 : memref<1x10000xf32, #tpu.memory_space<vmem_shared>> -> memref<10000xf32, #tpu.memory_space<vmem_shared>>
        tpu.wait_dma2 semaphore(%run_scoped3A : memref<!tpu.dma_semaphore, #tpu.memory_space<semaphore_mem>>) src(%dma_wait3A_70 : memref<10000xf32, #tpu.memory_space<vmem_shared>>) dst(%arg12 : memref<10000xf32, #tpu.memory_space<vmem>>)
        tpu.yield
      }) : () -> ()
      %scan3A_55 = arith.constant 0 : i32
      %scan3A_56 = arith.constant 0 : i32
      %scan3A_57 = arith.constant 625 : i32
      %scan3A_58 = arith.addi %scan3A_56, %scan3A_57 : i32
      %scan3A_59 = arith.constant 1 : i32
      scf.for %scan3A_61 = %scan3A_56 to %scan3A_58 step %scan3A_59  : i32 {
        %mul3A_62 = arith.constant 16 : i32
        %mul3A_63 = arith.muli %scan3A_61, %mul3A_62 : i32
        %get3A = arith.index_cast %mul3A_63 : i32 to index
        %get3A_64 = tpu.vector_load %arg11[%get3A] {strides = array<i32>} : memref<10000xf32, #tpu.memory_space<vmem>>, vector<16xf32>,
        %get3A_65 = arith.index_cast %mul3A_63 : i32 to index
        %get3A_66 = tpu.vector_load %arg12[%get3A_65] {strides = array<i32>} : memref<10000xf32, #tpu.memory_space<vmem>>, vector<16xf32>,
        %add3A_67 = arith.addf %get3A_64, %get3A_66 : vector<16xf32>
        %swap3A = arith.index_cast %mul3A_63 : i32 to index
        %swap3A_68 = tpu.vector_load %arg11[%swap3A] {strides = array<i32>} : memref<10000xf32, #tpu.memory_space<vmem>>, vector<16xf32>,
        tpu.vector_store %arg11[%swap3A], %add3A_67 {strides = array<i32>} : memref<10000xf32, #tpu.memory_space<vmem>>, vector<16xf32>,
      }
      %scan3A_60 = arith.constant 625 : i32
      "tpu.region"() ({
        %run_scoped3A = tpu.sem_alloc : memref<!tpu.dma_semaphore, #tpu.memory_space<semaphore_mem>>
        %dma_start3A = arith.constant 0 : i32
        %dma_start3A_61 = tpu.memref_slice %arg14[%arg1, %dma_start3A] : memref<16x10000xf32, #tpu.memory_space<vmem_shared>> -> memref<1x10000xf32, #tpu.memory_space<vmem_shared>>
        %dma_start3A_62 = tpu.memref_squeeze %dma_start3A_61 : memref<1x10000xf32, #tpu.memory_space<vmem_shared>> -> memref<10000xf32, #tpu.memory_space<vmem_shared>>
        %dma_start3A_63 = arith.constant 0 : i32
        %dma_start3A_64 = tpu.memref_slice %arg14[%arg1, %dma_start3A_63] : memref<16x10000xf32, #tpu.memory_space<vmem_shared>> -> memref<1x10000xf32, #tpu.memory_space<vmem_shared>>
        %dma_start3A_65 = tpu.memref_squeeze %dma_start3A_64 : memref<1x10000xf32, #tpu.memory_space<vmem_shared>> -> memref<10000xf32, #tpu.memory_space<vmem_shared>>
        tpu.enqueue_dma source(%arg11 : memref<10000xf32, #tpu.memory_space<vmem>>) target(%dma_start3A_65 : memref<10000xf32, #tpu.memory_space<vmem_shared>>) target_semaphore(%run_scoped3A : memref<!tpu.dma_semaphore, #tpu.memory_space<semaphore_mem>>)
        %dma_wait3A = arith.constant 0 : i32
        %dma_wait3A_66 = tpu.memref_slice %arg14[%arg1, %dma_wait3A] : memref<16x10000xf32, #tpu.memory_space<vmem_shared>> -> memref<1x10000xf32, #tpu.memory_space<vmem_shared>>
        %dma_wait3A_67 = tpu.memref_squeeze %dma_wait3A_66 : memref<1x10000xf32, #tpu.memory_space<vmem_shared>> -> memref<10000xf32, #tpu.memory_space<vmem_shared>>
        %dma_wait3A_68 = arith.constant 0 : i32
        %dma_wait3A_69 = tpu.memref_slice %arg14[%arg1, %dma_wait3A_68] : memref<16x10000xf32, #tpu.memory_space<vmem_shared>> -> memref<1x10000xf32, #tpu.memory_space<vmem_shared>>
        %dma_wait3A_70 = tpu.memref_squeeze %dma_wait3A_69 : memref<1x10000xf32, #tpu.memory_space<vmem_shared>> -> memref<10000xf32, #tpu.memory_space<vmem_shared>>
        tpu.wait_dma2 semaphore(%run_scoped3A : memref<!tpu.dma_semaphore, #tpu.memory_space<semaphore_mem>>) src(%arg11 : memref<10000xf32, #tpu.memory_space<vmem>>) dst(%dma_wait3A_70 : memref<10000xf32, #tpu.memory_space<vmem_shared>>)
        tpu.yield
      }) : () -> ()
    } else {
    }
    %barrier3A_48 = arith.constant 0 : index
    tpu.barrier barrier_id(%barrier3A_48)
    %eq3A = arith.constant 0 : i32
    %eq3A_49 = arith.cmpi eq, %arg1, %eq3A : i32
    %convert_element_type3A_50 = arith.extui %eq3A_49 : i1 to i32
    %cond3A_51 = arith.constant 0 : i32
    %cond3A_52 = arith.cmpi ne, %convert_element_type3A_50, %cond3A_51 : i32
    scf.if %cond3A_52 {
      "tpu.region"() ({
        %run_scoped3A = tpu.sem_alloc : memref<!tpu.dma_semaphore, #tpu.memory_space<semaphore_mem>>
        %dma_start3A = arith.constant 0 : i32
        %dma_start3A_53 = tpu.memref_slice %arg7[%arg0, %dma_start3A] : memref<2x10000xf32, #tpu.memory_space<hbm>> -> memref<1x10000xf32, #tpu.memory_space<hbm>>
        %dma_start3A_54 = tpu.memref_squeeze %dma_start3A_53 : memref<1x10000xf32, #tpu.memory_space<hbm>> -> memref<10000xf32, #tpu.memory_space<hbm>>
        %dma_start3A_55 = arith.constant 0 : i32
        %dma_start3A_56 = tpu.memref_slice %arg7[%arg0, %dma_start3A_55] : memref<2x10000xf32, #tpu.memory_space<hbm>> -> memref<1x10000xf32, #tpu.memory_space<hbm>>
        %dma_start3A_57 = tpu.memref_squeeze %dma_start3A_56 : memref<1x10000xf32, #tpu.memory_space<hbm>> -> memref<10000xf32, #tpu.memory_space<hbm>>
        tpu.enqueue_dma source(%arg11 : memref<10000xf32, #tpu.memory_space<vmem>>) target(%dma_start3A_57 : memref<10000xf32, #tpu.memory_space<hbm>>) target_semaphore(%run_scoped3A : memref<!tpu.dma_semaphore, #tpu.memory_space<semaphore_mem>>)
        %dma_wait3A = arith.constant 0 : i32
        %dma_wait3A_58 = tpu.memref_slice %arg7[%arg0, %dma_wait3A] : memref<2x10000xf32, #tpu.memory_space<hbm>> -> memref<1x10000xf32, #tpu.memory_space<hbm>>
        %dma_wait3A_59 = tpu.memref_squeeze %dma_wait3A_58 : memref<1x10000xf32, #tpu.memory_space<hbm>> -> memref<10000xf32, #tpu.memory_space<hbm>>
        %dma_wait3A_60 = arith.constant 0 : i32
        %dma_wait3A_61 = tpu.memref_slice %arg7[%arg0, %dma_wait3A_60] : memref<2x10000xf32, #tpu.memory_space<hbm>> -> memref<1x10000xf32, #tpu.memory_space<hbm>>
        %dma_wait3A_62 = tpu.memref_squeeze %dma_wait3A_61 : memref<1x10000xf32, #tpu.memory_space<hbm>> -> memref<10000xf32, #tpu.memory_space<hbm>>
        tpu.wait_dma2 semaphore(%run_scoped3A : memref<!tpu.dma_semaphore, #tpu.memory_space<semaphore_mem>>) src(%arg11 : memref<10000xf32, #tpu.memory_space<vmem>>) dst(%dma_wait3A_62 : memref<10000xf32, #tpu.memory_space<hbm>>)
        tpu.yield
      }) : () -> ()
    } else {
    }
    return
  }
}

module attributes {stable_mosaic.version = 14 : i64} {
  func.func @body(%arg0: i32, %arg1: memref<2x1000x128xf32, #tpu.memory_space<vmem>>, %arg2: memref<2x1000x1xf32, #tpu.memory_space<vmem>>, %arg3: memref<1000x128xf32, #tpu.memory_space<vmem>>, %arg4: memref<128x384xf32, #tpu.memory_space<vmem>>, %arg5: memref<128x384xf32, #tpu.memory_space<vmem>>, %arg6: memref<1x384xf32, #tpu.memory_space<vmem>>, %arg7: memref<128x128xf32, #tpu.memory_space<vmem>>, %arg8: memref<128x128xf32, #tpu.memory_space<vmem>>, %arg9: memref<128x128xf32, #tpu.memory_space<vmem>>, %arg10: memref<1x128xf32, #tpu.memory_space<vmem>>, %arg11: memref<1x128xf32, #tpu.memory_space<vmem>>, %arg12: memref<1x128xf32, #tpu.memory_space<vmem>>, %arg13: memref<1000x128xf32, #tpu.memory_space<vmem>>, %arg14: memref<1000x128xf32, #tpu.memory_space<vmem>>) attributes {dimension_semantics = [#tpu.dimension_semantics<arbitrary>], iteration_bounds = array<i64: 10>, scalar_prefetch = 0 : i64, scratch_operands = 0 : i64, tpu.core_type = #tpu.core_type<tc>, window_params = [{transform_indices = @transform_0, window_bounds = array<i64: 2, 1000, 128>}, {transform_indices = @transform_1, window_bounds = array<i64: 2, 1000, 1>}, {transform_indices = @transform_2, window_bounds = array<i64: 1000, 128>}, {pipeline_mode = #tpu.pipeline_mode<synchronous>, transform_indices = @transform_3, window_bounds = array<i64: 128, 384>}, {pipeline_mode = #tpu.pipeline_mode<synchronous>, transform_indices = @transform_4, window_bounds = array<i64: 128, 384>}, {pipeline_mode = #tpu.pipeline_mode<synchronous>, transform_indices = @transform_5, window_bounds = array<i64: 1, 384>}, {pipeline_mode = #tpu.pipeline_mode<synchronous>, transform_indices = @transform_6, window_bounds = array<i64: 128, 128>}, {pipeline_mode = #tpu.pipeline_mode<synchronous>, transform_indices = @transform_7, window_bounds = array<i64: 128, 128>}, {pipeline_mode = #tpu.pipeline_mode<synchronous>, transform_indices = @transform_8, window_bounds = array<i64: 128, 128>}, {pipeline_mode = #tpu.pipeline_mode<synchronous>, transform_indices = @transform_9, window_bounds = array<i64: 1, 128>}, {pipeline_mode = #tpu.pipeline_mode<synchronous>, transform_indices = @transform_10, window_bounds = array<i64: 1, 128>}, {pipeline_mode = #tpu.pipeline_mode<synchronous>, transform_indices = @transform_11, window_bounds = array<i64: 1, 128>}, {transform_indices = @transform_12, window_bounds = array<i64: 1000, 128>}, {transform_indices = @transform_13, window_bounds = array<i64: 1000, 128>}]} {
    %get3A = arith.constant 0 : index
    %get3A_0 = arith.constant 0 : index
    %get3A_1 = arith.constant 0 : index
    %get3A_2 = vector.load %arg1[%get3A, %get3A_0, %get3A_1] : memref<2x1000x128xf32, #tpu.memory_space<vmem>>, vector<1x1000x128xf32>
    %get3A_3 = vector.shape_cast %get3A_2 : vector<1x1000x128xf32> to vector<1000x128xf32>
    %get3A_4 = arith.constant 1 : index
    %get3A_5 = arith.constant 0 : index
    %get3A_6 = arith.constant 0 : index
    %get3A_7 = vector.load %arg1[%get3A_4, %get3A_5, %get3A_6] : memref<2x1000x128xf32, #tpu.memory_space<vmem>>, vector<1x1000x128xf32>
    %get3A_8 = vector.shape_cast %get3A_7 : vector<1x1000x128xf32> to vector<1000x128xf32>
    %add3A = arith.addf %get3A_3, %get3A_8 : vector<1000x128xf32>
    %get3A_9 = arith.constant 0 : index
    %get3A_10 = arith.constant 0 : index
    %get3A_11 = arith.constant 0 : index
    %get3A_12 = vector.load %arg2[%get3A_9, %get3A_10, %get3A_11] : memref<2x1000x1xf32, #tpu.memory_space<vmem>>, vector<1x1000x1xf32>
    %get3A_13 = vector.shape_cast %get3A_12 : vector<1x1000x1xf32> to vector<1000x1xf32>
    %get3A_14 = arith.constant 1 : index
    %get3A_15 = arith.constant 0 : index
    %get3A_16 = arith.constant 0 : index
    %get3A_17 = vector.load %arg2[%get3A_14, %get3A_15, %get3A_16] : memref<2x1000x1xf32, #tpu.memory_space<vmem>>, vector<1x1000x1xf32>
    %get3A_18 = vector.shape_cast %get3A_17 : vector<1x1000x1xf32> to vector<1000x1xf32>
    %add3A_19 = arith.addf %get3A_13, %get3A_18 : vector<1000x1xf32>
    %max3A = arith.constant 1.000000e+00 : f32
    %max3A_20 = vector.broadcast %max3A : f32 to vector<1000x1xf32>
    %max3A_21 = arith.maximumf %add3A_19, %max3A_20 : vector<1000x1xf32>
    %div3A = vector.broadcast %max3A_21 : vector<1000x1xf32> to vector<1000x128xf32>
    %div3A_22 = arith.divf %add3A, %div3A : vector<1000x128xf32>
    %get3A_23 = arith.constant 0 : index
    %get3A_24 = arith.constant 0 : index
    %get3A_25 = vector.load %arg4[%get3A_23, %get3A_24] : memref<128x384xf32, #tpu.memory_space<vmem>>, vector<128x384xf32>
    %dot_general3A = arith.constant dense<0.000000e+00> : vector<1000x384xf32>
    %dot_general3A_26 = tpu.matmul %div3A_22, %get3A_25, %dot_general3A {dimension_numbers = #tpu.dot_dimension_numbers<[1], [0], [0], [1], [0, 0, 1, 1], [], []>, transpose_lhs_hint = false} : vector<1000x128xf32>, vector<128x384xf32>, vector<1000x384xf32> -> vector<1000x384xf32>
    %get3A_27 = arith.constant 0 : index
    %get3A_28 = arith.constant 0 : index
    %get3A_29 = vector.load %arg3[%get3A_27, %get3A_28] : memref<1000x128xf32, #tpu.memory_space<vmem>>, vector<1000x128xf32>
    %get3A_30 = arith.constant 0 : index
    %get3A_31 = arith.constant 0 : index
    %get3A_32 = vector.load %arg5[%get3A_30, %get3A_31] : memref<128x384xf32, #tpu.memory_space<vmem>>, vector<128x384xf32>
    %dot_general3A_33 = arith.constant dense<0.000000e+00> : vector<1000x384xf32>
    %dot_general3A_34 = tpu.matmul %get3A_29, %get3A_32, %dot_general3A_33 {dimension_numbers = #tpu.dot_dimension_numbers<[1], [0], [0], [1], [0, 0, 1, 1], [], []>, transpose_lhs_hint = false} : vector<1000x128xf32>, vector<128x384xf32>, vector<1000x384xf32> -> vector<1000x384xf32>
    %add3A_35 = arith.addf %dot_general3A_26, %dot_general3A_34 : vector<1000x384xf32>
    %get3A_36 = arith.constant 0 : index
    %get3A_37 = arith.constant 0 : index
    %get3A_38 = vector.load %arg6[%get3A_36, %get3A_37] : memref<1x384xf32, #tpu.memory_space<vmem>>, vector<1x384xf32>
    %add3A_39 = vector.broadcast %get3A_38 : vector<1x384xf32> to vector<1000x384xf32>
    %add3A_40 = arith.addf %add3A_35, %add3A_39 : vector<1000x384xf32>
    %slice3A = vector.extract_strided_slice %add3A_40 {offsets = [0, 0], sizes = [1000, 128], strides = [1, 1]} : vector<1000x384xf32> to vector<1000x128xf32>
    %get3A_41 = arith.constant 0 : index
    %get3A_42 = arith.constant 0 : index
    %get3A_43 = vector.load %arg7[%get3A_41, %get3A_42] : memref<128x128xf32, #tpu.memory_space<vmem>>, vector<128x128xf32>
    %dot_general3A_44 = arith.constant dense<0.000000e+00> : vector<1000x128xf32>
    %dot_general3A_45 = tpu.matmul %slice3A, %get3A_43, %dot_general3A_44 {dimension_numbers = #tpu.dot_dimension_numbers<[1], [0], [0], [1], [0, 0, 1, 1], [], []>, transpose_lhs_hint = false} : vector<1000x128xf32>, vector<128x128xf32>, vector<1000x128xf32> -> vector<1000x128xf32>
    %get3A_46 = arith.constant 0 : index
    %get3A_47 = arith.constant 0 : index
    %get3A_48 = vector.load %arg10[%get3A_46, %get3A_47] : memref<1x128xf32, #tpu.memory_space<vmem>>, vector<1x128xf32>
    %add3A_49 = vector.broadcast %get3A_48 : vector<1x128xf32> to vector<1000x128xf32>
    %add3A_50 = arith.addf %dot_general3A_45, %add3A_49 : vector<1000x128xf32>
    %slice3A_51 = vector.extract_strided_slice %add3A_40 {offsets = [0, 128], sizes = [1000, 128], strides = [1, 1]} : vector<1000x384xf32> to vector<1000x128xf32>
    %get3A_52 = arith.constant 0 : index
    %get3A_53 = arith.constant 0 : index
    %get3A_54 = vector.load %arg8[%get3A_52, %get3A_53] : memref<128x128xf32, #tpu.memory_space<vmem>>, vector<128x128xf32>
    %dot_general3A_55 = arith.constant dense<0.000000e+00> : vector<1000x128xf32>
    %dot_general3A_56 = tpu.matmul %slice3A_51, %get3A_54, %dot_general3A_55 {dimension_numbers = #tpu.dot_dimension_numbers<[1], [0], [0], [1], [0, 0, 1, 1], [], []>, transpose_lhs_hint = false} : vector<1000x128xf32>, vector<128x128xf32>, vector<1000x128xf32> -> vector<1000x128xf32>
    %get3A_57 = arith.constant 0 : index
    %get3A_58 = arith.constant 0 : index
    %get3A_59 = vector.load %arg11[%get3A_57, %get3A_58] : memref<1x128xf32, #tpu.memory_space<vmem>>, vector<1x128xf32>
    %add3A_60 = vector.broadcast %get3A_59 : vector<1x128xf32> to vector<1000x128xf32>
    %add3A_61 = arith.addf %dot_general3A_56, %add3A_60 : vector<1000x128xf32>
    %slice3A_62 = vector.extract_strided_slice %add3A_40 {offsets = [0, 256], sizes = [1000, 128], strides = [1, 1]} : vector<1000x384xf32> to vector<1000x128xf32>
    %get3A_63 = arith.constant 0 : index
    %get3A_64 = arith.constant 0 : index
    %get3A_65 = vector.load %arg9[%get3A_63, %get3A_64] : memref<128x128xf32, #tpu.memory_space<vmem>>, vector<128x128xf32>
    %dot_general3A_66 = arith.constant dense<0.000000e+00> : vector<1000x128xf32>
    %dot_general3A_67 = tpu.matmul %slice3A_62, %get3A_65, %dot_general3A_66 {dimension_numbers = #tpu.dot_dimension_numbers<[1], [0], [0], [1], [0, 0, 1, 1], [], []>, transpose_lhs_hint = false} : vector<1000x128xf32>, vector<128x128xf32>, vector<1000x128xf32> -> vector<1000x128xf32>
    %get3A_68 = arith.constant 0 : index
    %get3A_69 = arith.constant 0 : index
    %get3A_70 = vector.load %arg12[%get3A_68, %get3A_69] : memref<1x128xf32, #tpu.memory_space<vmem>>, vector<1x128xf32>
    %add3A_71 = vector.broadcast %get3A_70 : vector<1x128xf32> to vector<1000x128xf32>
    %add3A_72 = arith.addf %dot_general3A_67, %add3A_71 : vector<1000x128xf32>
    %logistic3A = arith.negf %add3A_50 : vector<1000x128xf32>
    %logistic3A_73 = math.exp %logistic3A : vector<1000x128xf32>
    %logistic3A_74 = arith.constant 1.000000e+00 : f32
    %logistic3A_75 = vector.broadcast %logistic3A_74 : f32 to vector<1000x128xf32>
    %logistic3A_76 = arith.addf %logistic3A_75, %logistic3A_73 : vector<1000x128xf32>
    %logistic3A_77 = arith.divf %logistic3A_75, %logistic3A_76 : vector<1000x128xf32>
    %tanh3A = math.tanh %add3A_61 : vector<1000x128xf32>
    %logistic3A_78 = arith.negf %add3A_72 : vector<1000x128xf32>
    %logistic3A_79 = math.exp %logistic3A_78 : vector<1000x128xf32>
    %logistic3A_80 = arith.constant 1.000000e+00 : f32
    %logistic3A_81 = vector.broadcast %logistic3A_80 : f32 to vector<1000x128xf32>
    %logistic3A_82 = arith.addf %logistic3A_81, %logistic3A_79 : vector<1000x128xf32>
    %logistic3A_83 = arith.divf %logistic3A_81, %logistic3A_82 : vector<1000x128xf32>
    %mul3A = arith.mulf %logistic3A_77, %tanh3A : vector<1000x128xf32>
    %swap3A = arith.constant 0 : index
    %swap3A_84 = arith.constant 0 : index
    %swap3A_85 = vector.load %arg14[%swap3A, %swap3A_84] : memref<1000x128xf32, #tpu.memory_space<vmem>>, vector<1000x128xf32>
    tpu.vector_store %arg14[%swap3A, %swap3A_84], %mul3A {strides = array<i32>} : memref<1000x128xf32, #tpu.memory_space<vmem>>, vector<1000x128xf32>,
    %tanh3A_86 = math.tanh %mul3A : vector<1000x128xf32>
    %mul3A_87 = arith.mulf %logistic3A_83, %tanh3A_86 : vector<1000x128xf32>
    %swap3A_88 = arith.constant 0 : index
    %swap3A_89 = arith.constant 0 : index
    %swap3A_90 = vector.load %arg13[%swap3A_88, %swap3A_89] : memref<1000x128xf32, #tpu.memory_space<vmem>>, vector<1000x128xf32>
    tpu.vector_store %arg13[%swap3A_88, %swap3A_89], %mul3A_87 {strides = array<i32>} : memref<1000x128xf32, #tpu.memory_space<vmem>>, vector<1000x128xf32>,
    return
  }
  func.func @transform_0(%arg0: i32) -> (i32, i32, i32) {
    %c0_i32 = arith.constant 0 : i32
    %c0_i32_0 = arith.constant 0 : i32
    %c0_i32_1 = arith.constant 0 : i32
    return %c0_i32, %arg0, %c0_i32_0 : i32, i32, i32
  }
  func.func @transform_1(%arg0: i32) -> (i32, i32, i32) {
    %c0_i32 = arith.constant 0 : i32
    %c0_i32_0 = arith.constant 0 : i32
    %c0_i32_1 = arith.constant 0 : i32
    return %c0_i32, %arg0, %c0_i32_0 : i32, i32, i32
  }
  func.func @transform_2(%arg0: i32) -> (i32, i32) {
    %c0_i32 = arith.constant 0 : i32
    %c0_i32_0 = arith.constant 0 : i32
    return %arg0, %c0_i32 : i32, i32
  }
  func.func @transform_3(%arg0: i32) -> (i32, i32) {
    %c0_i32 = arith.constant 0 : i32
    %c0_i32_0 = arith.constant 0 : i32
    %c0_i32_1 = arith.constant 0 : i32
    return %c0_i32, %c0_i32_0 : i32, i32
  }
  func.func @transform_4(%arg0: i32) -> (i32, i32) {
    %c0_i32 = arith.constant 0 : i32
    %c0_i32_0 = arith.constant 0 : i32
    %c0_i32_1 = arith.constant 0 : i32
    return %c0_i32, %c0_i32_0 : i32, i32
  }
  func.func @transform_5(%arg0: i32) -> (i32, i32) {
    %c0_i32 = arith.constant 0 : i32
    %c0_i32_0 = arith.constant 0 : i32
    %c0_i32_1 = arith.constant 0 : i32
    return %c0_i32, %c0_i32_0 : i32, i32
  }
  func.func @transform_6(%arg0: i32) -> (i32, i32) {
    %c0_i32 = arith.constant 0 : i32
    %c0_i32_0 = arith.constant 0 : i32
    %c0_i32_1 = arith.constant 0 : i32
    return %c0_i32, %c0_i32_0 : i32, i32
  }
  func.func @transform_7(%arg0: i32) -> (i32, i32) {
    %c0_i32 = arith.constant 0 : i32
    %c0_i32_0 = arith.constant 0 : i32
    %c0_i32_1 = arith.constant 0 : i32
    return %c0_i32, %c0_i32_0 : i32, i32
  }
  func.func @transform_8(%arg0: i32) -> (i32, i32) {
    %c0_i32 = arith.constant 0 : i32
    %c0_i32_0 = arith.constant 0 : i32
    %c0_i32_1 = arith.constant 0 : i32
    return %c0_i32, %c0_i32_0 : i32, i32
  }
  func.func @transform_9(%arg0: i32) -> (i32, i32) {
    %c0_i32 = arith.constant 0 : i32
    %c0_i32_0 = arith.constant 0 : i32
    %c0_i32_1 = arith.constant 0 : i32
    return %c0_i32, %c0_i32_0 : i32, i32
  }
  func.func @transform_10(%arg0: i32) -> (i32, i32) {
    %c0_i32 = arith.constant 0 : i32
    %c0_i32_0 = arith.constant 0 : i32
    %c0_i32_1 = arith.constant 0 : i32
    return %c0_i32, %c0_i32_0 : i32, i32
  }
  func.func @transform_11(%arg0: i32) -> (i32, i32) {
    %c0_i32 = arith.constant 0 : i32
    %c0_i32_0 = arith.constant 0 : i32
    %c0_i32_1 = arith.constant 0 : i32
    return %c0_i32, %c0_i32_0 : i32, i32
  }
  func.func @transform_12(%arg0: i32) -> (i32, i32) {
    %c0_i32 = arith.constant 0 : i32
    %c0_i32_0 = arith.constant 0 : i32
    return %arg0, %c0_i32 : i32, i32
  }
  func.func @transform_13(%arg0: i32) -> (i32, i32) {
    %c0_i32 = arith.constant 0 : i32
    %c0_i32_0 = arith.constant 0 : i32
    return %arg0, %c0_i32 : i32, i32
  }
}

</mosaic_0001>

<sc_bundles>
// kernel: kernel.4.cloned.1.call-start
scs
__scs_entry_jumppad:
0x0: {  	(pc) =	sbr.rel $0x88, $3  }
0x1: {  	(tag) =	ssettag $0x0;
	lr =	simm.s32 $0x1  }
0x2: {  	[smem:$0x3F90] =	sst lr;
	_ =	strace $0xD0000000  }
0x3: {  	_ = 	snop  }
0x4: {  	_ = 	snop  }
0x5: {  	_ = 	snop  }
0x6: {  	_ = 	snop  }
0x7: {  	_ = 	snop  }
__scs_overlays_trampoline_lowered:
0x8: {  	[smem:$0x3F9F] =	sst s0  }
0x9: {  	[smem:$0x3FA0] =	sst s1  }
0xa: {  	[smem:$0x3FA1] =	sst s2  }
0xb: {  	[smem:$0x3FA2] =	sst s3  }
0xc: {  	[smem:$0x3FA3] =	sst s4  }
0xd: {  	[smem:$0x3FA4] =	sst s5  }
0xe: {  	[smem:$0x3FA5] =	sst s6  }
0xf: {  	[smem:$0x3FA6] =	sst s7  }
0x10: {  	[smem:$0x3FA7] =	sst s8  }
0x11: {  	[smem:$0x3FA8] =	sst s9;
	s0 =	simm.s32 @!p0 $0x0  }
0x12: {  	s1 =	sld [smem:$0x3F8E];
	s0 =	simm.s32 @p0 $0x1  }
0x13: {  	[smem:$0x3FA9] =	sst s0;
	s0 =	simm.s32 @!p1 $0x0  }
0x14: {  	s2 =	sld [smem:$0x3F8D];
	s0 =	simm.s32 @p1 $0x1  }
0x15: {  	[smem:$0x3FAA] =	sst s0;
	s0 =	simm.s32 @!p2 $0x0  }
0x16: {  	s3 =	sld [smem:$0x3FDB];
	s0 =	simm.s32 @p2 $0x1  }
0x17: {  	s4 =	simm.s32 $0x1BF5;
	[smem:$0x3FAC] =	sst s0  }
0x18: {  	s0 =	sld [smem:$0x3F8F];
	_ =	swait.ge [sflag:s4], $0x0  }
0x19: {  	s7 =	sld [smem:$0x3F90]  }
0x1a: {  	s8 =	sadd.s32 $0xFFFFE003, lr  }
0x1b: {  	s9 =	sadd.s32 $0xFFFFFEF7, lr;
	s5 =	simm.s32 $0xFFFFFFFF;
	p2 =	slt.u32 s8, $0xFFFFF086  }
0x1c: {  	p1 =	slt.u32 s9, $0xF7A;
	s5 =	simm.s32 @!p2 $0x0  }
0x1d: {  	s5 =	simm.s32 @p1 $0x1;
	p0 =	seq.s32 s7, s2  }
0x1e: {  	s7 =	smul.u32 @!p0 $0xF7A, s2;
	p2 =	seq.s32 @!p0 s5, $0x0  }
0x1f: {  	s9 =	smul.u32 $0xF7A, s1;
	s8 =	simm.s32 @!p0 $0x1BF5;
	p2 =	por !p2, p0  }
0x20: {  	[sflag:s8] =	ssyncset.s32 @!p0 $0xFFFFF086;
	s6 =	sadd.s32 @!p0 s3, s7;
	s7 =	simm.s32 @!p0 $0x108  }
0x21: {  	s3 =	sadd.s32 s3, s9;
	s6 =	sadd.s32 @!p0 $0x88, s6;
	s7 =	simm.s32 @p2 $0x1082  }
0x22: {  	[simem:s7], [sflag:s8] =	dma.local @!p0 [hbm:s6], $0xF7A  }
0x23: {  	s9 =	sor.u32 $0xD0000000, s2;
	s6 =	simm.s32 $0x108;
	_ =	swait.ge @!p0 [sflag:s8], $0x0  }
0x24: {  	s3 =	sadd.s32 $0x88, s3;
	s6 =	simm.s32 @!p1 $0x1082;
	[sflag:s4] =	ssyncset.s32 $0xFFFFF086  }
0x25: {  	[simem:s6], [sflag:s4] =	dma.local [hbm:s3], $0xF7A  }
0x26: {  	[smem:$0x3F90] =	sst s1;
	(tag) =	ssettag s2;
	_ =	strace s9  }
0x27: {  	s1 =	sld [smem:$0x3FA0]  }
0x28: {  	s2 =	sld [smem:$0x3FA1]  }
0x29: {  	s4 =	sld [smem:$0x3FA3]  }
0x2a: {  	p0 =	seq.s32 s5, $0x0;
	s5 =	sld [smem:$0x3FA4]  }
0x2b: {  	s6 =	sld [smem:$0x3FA5]  }
0x2c: {  	s7 =	sld [smem:$0x3FA6]  }
0x2d: {  	s3 =	simm.s32 $0x108;
	s8 =	sld [smem:$0x3FA7]  }
0x2e: {  	s3 =	simm.s32 @!p0 $0x1082;
	s9 =	sld [smem:$0x3FA8]  }
0x2f: {  	lr =	sadd.s32 s0, s3;
	s0 =	sld [smem:$0x3F9F]  }
0x30: {  	s3 =	sld [smem:$0x3FA2]  }
0x31: {  	[smem:$0x3FAB] =	sst s10  }
0x32: {  	s10 =	sld [smem:$0x3FA9];
	_ =	sdelay $0x3  }
0x33: {  	p0 =	seq.s32 s10, $0x1;
	s10 =	sld [smem:$0x3FAB];
	_ =	sdelay $0x3  }
0x34: {  	[smem:$0x3FAB] =	sst s10  }
0x35: {  	s10 =	sld [smem:$0x3FAA];
	_ =	sdelay $0x3  }
0x36: {  	p1 =	seq.s32 s10, $0x1;
	s10 =	sld [smem:$0x3FAB];
	_ =	sdelay $0x3  }
0x37: {  	[smem:$0x3FAB] =	sst s10  }
0x38: {  	s10 =	sld [smem:$0x3FAC]  }
0x39: {  	_ = 	snop;
	(pc) =	sbr.ind lr, $3  }
0x3a: {  	_ = 	snop  }
0x3b: {  	_ = 	snop  }
0x3c: {  	p2 =	seq.s32 s10, $0x1;
	s10 =	sld [smem:$0x3FAB]  }
0x3d: {  	_ =	shalt  }
0x3e: {  	_ =	shalt  }
0x3f: {  	_ =	shalt  }
0x40: {  	_ =	shalt  }
0x41: {  	_ =	shalt  }
0x42: {  	_ =	shalt  }
0x43: {  	_ =	shalt  }
0x44: {  	_ =	shalt  }
0x45: {  	_ =	shalt  }
0x46: {  	_ =	shalt  }
0x47: {  	_ =	shalt  }
0x48: {  	_ =	shalt  }
0x49: {  	_ =	shalt  }
0x4a: {  	_ =	shalt  }
0x4b: {  	_ =	shalt  }
0x4c: {  	_ =	shalt  }
0x4d: {  	_ =	shalt  }
0x4e: {  	_ =	shalt  }
0x4f: {  	_ =	shalt  }
0x50: {  	_ =	shalt  }
0x51: {  	_ =	shalt  }
0x52: {  	_ =	shalt  }
0x53: {  	_ =	shalt  }
0x54: {  	_ =	shalt  }
0x55: {  	_ =	shalt  }
0x56: {  	_ =	shalt  }
0x57: {  	_ =	shalt  }
0x58: {  	_ =	shalt  }
0x59: {  	_ =	shalt  }
0x5a: {  	_ =	shalt  }
0x5b: {  	_ =	shalt  }
0x5c: {  	_ =	shalt  }
0x5d: {  	_ =	shalt  }
0x5e: {  	_ =	shalt  }
0x5f: {  	_ =	shalt  }
0x60: {  	_ =	shalt  }
0x61: {  	_ =	shalt  }
0x62: {  	_ =	shalt  }
0x63: {  	_ =	shalt  }
0x64: {  	_ =	shalt  }
0x65: {  	_ =	shalt  }
0x66: {  	_ =	shalt  }
0x67: {  	_ =	shalt  }
0x68: {  	_ =	shalt  }
0x69: {  	_ =	shalt  }
0x6a: {  	_ =	shalt  }
0x6b: {  	_ =	shalt  }
0x6c: {  	_ =	shalt  }
0x6d: {  	_ =	shalt  }
0x6e: {  	_ =	shalt  }
0x6f: {  	_ =	shalt  }
0x70: {  	_ =	shalt  }
0x71: {  	_ =	shalt  }
0x72: {  	_ =	shalt  }
0x73: {  	_ =	shalt  }
0x74: {  	_ =	shalt  }
0x75: {  	_ =	shalt  }
0x76: {  	_ =	shalt  }
0x77: {  	_ =	shalt  }
0x78: {  	_ =	shalt  }
0x79: {  	_ =	shalt  }
0x7a: {  	_ =	shalt  }
0x7b: {  	_ =	shalt  }
0x7c: {  	_ =	shalt  }
0x7d: {  	_ =	shalt  }
0x7e: {  	_ =	shalt  }
0x7f: {  	_ =	shalt  }
0x80: {  	_ =	shalt  }
0x81: {  	_ =	shalt  }
0x82: {  	_ =	shalt  }
0x83: {  	_ =	shalt  }
0x84: {  	_ =	shalt  }
0x85: {  	_ =	shalt  }
0x86: {  	_ =	shalt  }
0x87: {  	_ =	shalt  }
.Lfunc_end0:
.L_simem_size_0:
called_computation_lowered:
.L_overlay_start_0:
0x88: {  	s2 =	sld [smem:$0x3FD9]  }
0x89: {  	s3 =	sld [smem:$0x3FFE];
	_ =	sdelay $0x1  }
0x8a: {  	s1 =	srdreg.scid  }
0x8b: {  	s0 =	sand.u32 $0x1, s1  }
0x8c: {  	s14 =	sshll.u32 s0, $0xA;
	s2 =	sadd.s32 s3, s2  }
0x8d: {  	s2 =	sadd.s32 s2, s14  }
0x8e: {  	[smem:$0x3FB7] =	sst s2  }
0x8f: {  	_ = 	snop  }
0x90: {  	s2 =	sld [smem:$0x3FD0];
	_ =	sdelay $0x2  }
0x91: {  	s4 =	simm.s32 $0xA;
	s5 =	simm.s32 $0x10;
	s15 =	sld [smem:$0x3FC9]  }
0x92: {  	[smem:s5], [sflag:s4] =	dma.local [hbm:s2], $0x1  }
0x93: {  	_ =	swait.eq [sflag:s4], $0x1  }
0x94: {  	[sflag:s4] =	ssyncset.done $0x0  }
0x95: {  	s16 =	sld [smem:$0x10];
	[sflag:s4] =	ssyncadd.s32 $0xFFFFFFFF  }
0x96: {  	s17 =	sld [smem:$0x11];
	(tm) =	ssettm $0x1  }
0x97: {  	s18 =	sld [smem:$0x3FFB];
	_ =	sdelay $0x3  }
0x98: {  	_ =	strace s18  }
0x99: {  	s5 =	sld [smem:$0x3FFC];
	_ =	sdelay $0x3  }
0x9a: {  	_ =	strace s5  }
0x9b: {  	s5 =	sld [smem:$0x3FFD];
	_ =	sdelay $0x3  }
0x9c: {  	_ =	strace s5  }
0x9d: {  	_ =	strace $0x8FFFFFFF  }
0x9e: {  	s19 =	sld [smem:$0x3FDB];
	_ =	sdelay $0x1  }
0x9f: {  	s6 =	simm.s32 $_scs_section_size  }
0xa0: {  	s7 =	simm.s32 $_size__tile_overlayer_lowered;
	s8 =	simm.s32 $_tile_overlayer_lowered  }
0xa1: {  	s22 =	simm.s32 $0x1BFF;
	s21 =	sshll.u32 s8, $0x1;
	s5 =	sadd.s32 s6, s19  }
0xa2: {  	s9 =	simm.s32 $0x0;
	s20 =	sshll.u32 s7, $0x1;
	s7 =	sadd.s32 s21, s5  }
0xa3: {  	[timem:s9], [sflag:s22] =	dma.local [hbm:s7], s20  }
0xa4: {  	_ =	swait.ge [sflag:s22], s20  }
0xa5: {  	s6 =	ssub.s32 $0x0, s20;
	[sflag:s22] =	ssyncset.done $0x0  }
0xa6: {  	[sflag:s22] =	ssyncadd.s32 s6;
	_ =	sdelay $0x1  }
0xa7: {  	s23 =	simm.s32 $0x1B8B  }
0xa8: {  	_ =	swait.ge [sflag:s23], $0x1  }
0xa9: {  	[sflag:s23] =	ssyncset.done $0x0  }
0xaa: {  	s25 =	simm.s32 $0x1B8E;
	s24 =	sld [smem:$0x3FFE];
	[sflag:s23] =	ssyncadd.s32 $0xFFFFFFFF  }
0xab: {  	s26 =	simm.s32 $execute0_lowered;
	[smem:$0x3FD2] =	sst s25  }
0xac: {  	s7 =	sshll.u32 s26, $0x1;
	_ =	strace $0x80000046;
	[dreg:$0x1] =	wrdreg $0xFFFFFFFF  }
0xad: {  	s28 =	simm.s32 $_size_execute0_lowered;
	s5 =	sadd.s32 s5, s7;
	[dreg:$0x0] =	wrdreg $0x0  }
0xae: {  	s7 =	sshll.u32 s28, $0x1;
	[dreg:$0x2] =	wrdreg s5  }
0xaf: {  	[dreg:$0x3] =	wrdreg s7  }
0xb0: {  	[dreg:$0x4] =	wrdreg $0xC0  }
0xb1: {  	_ =	task [dreg:s9], $0x5FFFF  }
0xb2: {  	[dreg:$0x1] =	wrdreg $0xFFFFFFFF  }
0xb3: {  	[dreg:$0x0] =	wrdreg $0x60  }
0xb4: {  	[dreg:$0x2] =	wrdreg s15  }
0xb5: {  	[dreg:$0x3] =	wrdreg s16  }
0xb6: {  	[dreg:$0x4] =	wrdreg s17  }
0xb7: {  	[dreg:$0x5] =	wrdreg s24  }
0xb8: {  	[dreg:$0x6] =	wrdreg $0x78000  }
0xb9: {  	[dreg:$0x7] =	wrdreg $0x1B0800  }
0xba: {  	[dreg:$0x8] =	wrdreg $0x9  }
0xbb: {  	_ =	task.clear_ibuf [dreg:s9], $0x9FFFF;
	_ =	strace $0x90000046  }
0xbc: {  	s29 =	simm.s32 $0x9;
	_ =	strace $0x80000048  }
0xbd: {  	_ =	swait.ge [sflag:s29], $0x1  }
0xbe: {  	[sflag:s29] =	ssyncadd.s32 $0xFFFFFFFF  }
0xbf: {  	_ =	strace $0x90000048  }
0xc0: {  	_ =	sfence  }
0xc1: {  	s30 =	sld [smem:$0x0];
	_ =	sdelay $0x2  }
0xc2: {  	s31 =	sshll.u32 s1, $0xD;
	s1 =	sshrl.u32 s1, $0x2  }
0xc3: {  	s3 =	sand.u32 $0x4000, s31;
	s1 =	sadd.s32 s1, s30  }
0xc4: {  	s0 =	sor.u32 s3, s0;
	s1 =	sshll.u32 s1, $0x11  }
0xc5: {  	s0 =	sor.u32 s1, s0  }
0xc6: {  	s0 =	sadd.s32 $0x8F2B, s0  }
0xc7: {  	[sflag:s0] =	ssyncadd.remote.s32 $0x1  }
0xc8: {  	_ =	sfence.sel $0xFFFF  }
0xc9: {  	[dreg:$0x0] =	wrdreg $0xFFFFFFFF;
	(pc) =	sbr.abs _section_cstart, $3  }
0xca: {  	[dreg:$0x1] =	wrdreg $0xFFFFFFFF  }
0xcb: {  	_ =	task.clear_ibuf [dreg:s9], $0x2FFFF;
	_ =	strace $0x9FFFFFFF  }
0xcc: {  	(tm) =	ssettm $0x7FFFFFFF  }
0xcd: {  	_ =	shalt  }
tec
execute0_lowered:
.L_overlay_start_1:
0x0: {  	(tag) =	ssettag $0x1  }
0x1: {  	s0 =	rddreg [dreg:$0x0]  }
0x2: {  	s15 =	rddreg [dreg:$0x1]  }
0x3: {  	s14 =	rddreg [dreg:$0x2]  }
0x4: {  	s6 =	rddreg [dreg:$0x3]  }
0x5: {  	s3 =	rddreg [dreg:$0x4]  }
0x6: {  	s1 =	srdreg.scid;
	s11 =	rddreg [dreg:$0x5]  }
0x7: {  	s2 =	rddreg [dreg:$0x6];
	s4 =	simm.s32 $0x0;
	s19 =	simm.s32 $0x80  }
0x8: {  	s20 =	simm.s32 $0x50;
	s21 =	simm.s32 $0x100;
	s8 =	sand.u32 $0x1, s1  }
0x9: {  	s22 =	simm.s32 $0x1;
	s1 =	stileid.u32;
	s5 =	smul.u32 $0x138800, s8  }
0xa: {  	s23 =	simm.s32 $0x2900;
	[smem:$0x7FF] =	sst s4;
	s7 =	smul.u32 $0x1F400, s1  }
0xb: {  	_ =	strace $0x80000047;
	s9 =	sshll.u32 s8, $0x4;
	s25 =	smul.u32 $0x7D000, s1  }
0xc: {  	s24 =	ssub.s32 $0x2, s8;
	s10 =	sshrl.u32 s1, $0x3;
	s18 =	smul.u32 $0x27100, s8  }
0xd: {  	s16 =	sshll.u32 s1, $0x7;
	s31 =	smul.u32 $0x2710, s1;
	p0 =	sgt.u32 s1, $0x9  }
0xe: {  	p2 =	sgt.u32 s1, $0x3;
	p3 =	sgt.u32 s1, $0x1;
	p4 =	seq.s32 s1, $0x0  }
0xf: {  	s12 =	sadd.s32 s9, s6;
	s13 =	sshrl.u32 s24, $0x1;
	s10 =	smul.u32 $0x4F000, s10  }
0x10: {  	s28 =	sand.u32 $0x380, s16;
	s30 =	sadd.s32 s16, s11;
	p1 =	sgt.u32 @!p0 s1, $0x7  }
0x11: {  	s5 =	sadd.s32 s7, s5;
	s13 =	ssub.s32 s24, s13;
	s26 =	sshrl.u32 s25, $0x2  }
0x12: {  	s9 =	sadd.s32 s28, s11;
	s11 =	sadd.s32 $0x80, s11;
	s12 =	sadd.s32 $0x6A00, s12  }
0x13: {  	s16 =	sadd.s32 s31, s18;
	s18 =	sshll.u32 @!p0 s1, $0x6;
	s24 =	simm.s32 $0x400  }
0x14: {  	p1 =	por p0, p1;
	s25 =	simm.s32 $0x5080;
	s7 =	sshrl.u32 s5, $0x3  }
0x15: {  	s5 =	sadd.s32 $0x2A00, s6;
	s17 =	sadd.s32 s26, s3;
	s29 =	sshrl.u32 s10, $0x2  }
.Ltmp0:
0x16: {  	s8 =	sadd.s32 $0x13C00, s9;
	s10 =	sadd.s32 $0x100, s30;
	(pc) =	sbr.rel .LBB2_1-.Ltmp0, $4  }
0x17: {  	s13 =	smax.u32 s13, $0x1;
	s16 =	sshrl.u32 s16, $0x3;
	s26 =	simm.s32 $0x0  }
0x18: {  	s7 =	sadd.s32 s7, s6;
	s6 =	sadd.s32 s29, s9;
	s9 =	sadd.s32 $0x200, s30  }
0x19: {  	s14 =	sadd.s32 s16, s14;
	s15 =	sadd.s32 s16, s15;
	s16 =	sor.u32 @!p0 $0x1C02, s18  }
0x1a: {  	v0 =	vimm.f32 $0.0e+00;
	v1 =	vimm.f32 $1.000000000e+00;
	s17 =	sshrl.u32 @!p0 s17, $0x3;
	s18 =	simm.s32 $0x2;
	s7 =	sadd.s32 $0x7400, s7  }
.LBB2_16:
0x1b: {  	[bflag:$0x0] =	sbarrier.arrive $0xFFFF  }
.LBB2_17:
0x1c: {  	[bflag:$0x0] =	sbarrier.arrive $0xFFFF  }
.LBB2_18:
0x1d: {  	[bflag:$0x0] =	sbarrier.arrive $0xFFFF  }
0x1e: {  	[bflag:$0x0] =	sbarrier.arrive $0xFFFF  }
.LBB2_22:
0x1f: {  	s26 =	sadd.s32 $0x1, s26  }
0x20: {  	p5 =	sne.s32 s26, s13  }
.Ltmp1:
0x21: {  	_ = 	snop;
	(pc) =	sbr.rel @!p5 .LBB2_23-.Ltmp1, $1  }
0x22: {  	_ =	sdelay $0x3  }
.LBB2_1:
0x23: {  	[spmem:s17], [sflag:s16] =	dma.local @!p0 [hbm:s5], $0x3E80  }
0x24: {  	s28 =	simm.s32 @!p0 $0x2  }
0x25: {  	_ =	swait.ge @!p0 [sflag:s28], $0x3E80  }
0x26: {  	[sflag:s28] =	ssyncset.done @!p0 $0x0  }
0x27: {  	s29 =	simm.s32 $0x0;
	[sflag:s28] =	ssyncadd.s32 @!p0 $0xFFFFC180;
	s28 =	simm.s32 $0x40  }
.LBB2_2:
0x28: {  	p5 =	sne.s32 s28, $0x9C00;
	[tilespmem:s29+$0x2900] =	vst v0;
	s29 =	smov.u32 s28;
	s28 =	sadd.s32 $0x40, s28  }
.Ltmp2:
0x29: {  	(pc) =	sbr.rel @p5 .LBB2_2-.Ltmp2, $2  }
0x2a: {  	_ =	sdelay $0x2  }
0x2b: {  	s29 =	sshra.s32 s29, $0x2  }
0x2c: {  	[tilespmem:s29+$0x2900] =	vst v0  }
0x2d: {  	s28 =	simm.s32 $0x0;
	[bflag:$0x0] =	sbarrier.arrive $0xFFFF  }
.LBB2_4:
0x2e: {  	s29 =	sadd.s32 s28, s15  }
0x2f: {  	[tilespmem:s4], [sflag:$0x2] =	stream.linear.gather [hbm4b:s29+s4], $0x50, $0x38;
	[tilespmem:$0x1D790] =	vst v63  }
0x30: {  	_ =	swait.ge [sflag:s18], $0x50  }
0x31: {  	[sflag:s18] =	ssyncset.done $0x0  }
0x32: {  	s31 =	sadd.s32 s28, s14;
	[sflag:s18] =	ssyncadd.s32 $0xFFFFFFB0  }
0x33: {  	[tilespmem:s19], [sflag:$0x2] =	stream.linear.gather [hbm4b:s31+s4], $0x50, $0x38;
	[tilespmem:$0x1D790] =	vst v63  }
0x34: {  	_ =	swait.ge [sflag:s18], $0x50  }
0x35: {  	[sflag:s18] =	ssyncset.done $0x0  }
0x36: {  	[sflag:s18] =	ssyncadd.s32 $0xFFFFFFB0  }
0x37: {  	[tilespmem:s21], [sflag:$0x1] =	stream.indirect.gather [hbm4b:s0+s20], $0x80, s4, s20, $0xb8;
	[tilespmem:$0x1D790] =	vst v63  }
0x38: {  	_ =	swait.ge [sflag:s22], $0x2800  }
0x39: {  	[sflag:s22] =	ssyncset.done $0x0  }
0x3a: {  	[sflag:s22] =	ssyncadd.s32 $0xFFFFD800  }
0x3b: {  	[spmem:s3] =	stream.indirect.scatter.add.f32 [tilespmem:s21], [sflag:$0x2], $0x80, s19, s20, $0xb8;
	[tilespmem:$0x1D790] =	vst v63  }
0x3c: {  	_ =	swait.ge [sflag:s18], $0x2800  }
0x3d: {  	[sflag:s18] =	ssyncset.done $0x0  }
0x3e: {  	[sflag:s18] =	ssyncadd.s32 $0xFFFFD800  }
0x3f: {  	v2 =	vld [tilespmem:$0x80];
	_ =	sdelay $0x7  }
0x40: {  	[tilespmem:v2+s23+$0x0] =	vst.idx.add.f32.msk $0xffff, v1  }
0x41: {  	v2 =	vld [tilespmem:$0x90];
	_ =	sdelay $0x7  }
0x42: {  	[tilespmem:v2+s23+$0x0] =	vst.idx.add.f32.msk $0xffff, v1  }
0x43: {  	v2 =	vld [tilespmem:$0xA0];
	_ =	sdelay $0x7  }
0x44: {  	[tilespmem:v2+s23+$0x0] =	vst.idx.add.f32.msk $0xffff, v1  }
0x45: {  	v2 =	vld [tilespmem:$0xB0];
	_ =	sdelay $0x7  }
0x46: {  	[tilespmem:v2+s23+$0x0] =	vst.idx.add.f32.msk $0xffff, v1  }
0x47: {  	v2 =	vld [tilespmem:$0xC0];
	_ =	sdelay $0x2  }
0x48: {  	p5 =	sne.s32 s28, $0x4D8  }
.Ltmp3:
0x49: {  	_ = 	snop;
	(pc) =	sbr.rel @p5 .LBB2_4-.Ltmp3, $2  }
0x4a: {  	_ =	sdelay $0x2  }
0x4b: {  	s28 =	sadd.s32 $0xA, s28;
	[tilespmem:v2+s23+$0x0] =	vst.idx.add.f32.msk $0xffff, v1  }
0x4c: {  	[spmem:s6] =	stream.strided.scatter [tilespmem:s23], [sflag:$0x2], $0x2780, s24, s19, $0x38;
	[tilespmem:$0x1D790] =	vst v63  }
0x4d: {  	_ =	swait.ge [sflag:s18], $0x2780  }
0x4e: {  	[sflag:s18] =	ssyncset.done $0x0  }
0x4f: {  	[sflag:s18] =	ssyncadd.s32 $0xFFFFD880  }
.Ltmp4:
0x50: {  	s28 =	simm.s32 @!p0 $0x2;
	[bflag:$0x0] =	sbarrier.arrive $0xFFFF;
	(pc) =	sbr.rel @p1 .LBB2_16-.Ltmp4, $4  }
0x51: {  	[hbm:s7], [sflag:s16] =	dma.local @!p0 [spmem:s17], $0x3E80  }
0x52: {  	_ =	swait.ge @!p0 [sflag:s28], $0x3E80  }
0x53: {  	[sflag:s28] =	ssyncset.done @!p0 $0x0  }
0x54: {  	[sflag:s28] =	ssyncadd.s32 @!p0 $0xFFFFC180  }
0x55: {  	[tilespmem:s25], [sflag:$0x2] =	stream.strided.gather [spmem:s8], $0x2780, s24, s19, $0x38;
	[tilespmem:$0x1D790] =	vst v63  }
0x56: {  	_ =	swait.ge [sflag:s18], $0x2780  }
0x57: {  	[sflag:s18] =	ssyncset.done $0x0  }
0x58: {  	s28 =	simm.s32 $0x0;
	[sflag:s18] =	ssyncadd.s32 $0xFFFFD880  }
0x59: {  	s29 =	simm.s32 $0x40;
	v2 =	vld [tilespmem:s28+$0x5080]  }
.LBB2_7:
0x5a: {  	p5 =	seq.s32 s29, $0x9C00;
	v3 =	vld [tilespmem:s28+$0x2900];
	_ =	sdelay $0x2  }
.Ltmp5:
0x5b: {  	(pc) =	sbr.rel @!p5 .LBB2_7-.Ltmp5, $4  }
0x5c: {  	_ = 	snop  }
0x5d: {  	v3 =	vadd.f32 v2, v3  }
0x5e: {  	s30 =	sshra.s32 s29, $0x2  }
0x5f: {  	s29 =	sadd.s32 $0x40, s29;
	v2 =	vld [tilespmem:s30+$0x5080];
	[tilespmem:s28+$0x2900] =	vst v3;
	s28 =	smov.u32 s30  }
0x60: {  	v3 =	vld [tilespmem:s28+$0x2900];
	_ =	sdelay $0x4  }
0x61: {  	v2 =	vadd.f32 v2, v3;
	_ =	sdelay $0x1  }
0x62: {  	[tilespmem:s28+$0x2900] =	vst v2  }
0x63: {  	[spmem:s6] =	stream.strided.scatter [tilespmem:s23], [sflag:$0x2], $0x2780, s24, s19, $0x38;
	[tilespmem:$0x1D790] =	vst v63  }
.Ltmp6:
0x64: {  	_ =	swait.ge [sflag:s18], $0x2780;
	(pc) =	sbr.rel @p2 .LBB2_17-.Ltmp6, $3  }
0x65: {  	[sflag:s18] =	ssyncset.done $0x0  }
0x66: {  	[sflag:s18] =	ssyncadd.s32 $0xFFFFD880  }
0x67: {  	[bflag:$0x0] =	sbarrier.arrive $0xFFFF;
	_ =	sdelay $0x1  }
0x68: {  	[tilespmem:s25], [sflag:$0x2] =	stream.strided.gather [spmem:s9], $0x2780, s24, s19, $0x38;
	[tilespmem:$0x1D790] =	vst v63  }
0x69: {  	_ =	swait.ge [sflag:s18], $0x2780  }
0x6a: {  	[sflag:s18] =	ssyncset.done $0x0  }
0x6b: {  	s28 =	simm.s32 $0x0;
	[sflag:s18] =	ssyncadd.s32 $0xFFFFD880  }
0x6c: {  	s29 =	simm.s32 $0x40;
	v2 =	vld [tilespmem:s28+$0x5080]  }
.LBB2_10:
0x6d: {  	p5 =	seq.s32 s29, $0x9C00;
	v3 =	vld [tilespmem:s28+$0x2900];
	_ =	sdelay $0x2  }
.Ltmp7:
0x6e: {  	(pc) =	sbr.rel @!p5 .LBB2_10-.Ltmp7, $4  }
0x6f: {  	_ = 	snop  }
0x70: {  	v3 =	vadd.f32 v2, v3  }
0x71: {  	s30 =	sshra.s32 s29, $0x2  }
0x72: {  	s29 =	sadd.s32 $0x40, s29;
	v2 =	vld [tilespmem:s30+$0x5080];
	[tilespmem:s28+$0x2900] =	vst v3;
	s28 =	smov.u32 s30  }
0x73: {  	v3 =	vld [tilespmem:s28+$0x2900];
	_ =	sdelay $0x4  }
0x74: {  	v2 =	vadd.f32 v2, v3;
	_ =	sdelay $0x1  }
0x75: {  	[tilespmem:s28+$0x2900] =	vst v2  }
0x76: {  	[spmem:s6] =	stream.strided.scatter [tilespmem:s23], [sflag:$0x2], $0x2780, s24, s19, $0x38;
	[tilespmem:$0x1D790] =	vst v63  }
.Ltmp8:
0x77: {  	_ =	swait.ge [sflag:s18], $0x2780;
	(pc) =	sbr.rel @p3 .LBB2_18-.Ltmp8, $3  }
0x78: {  	[sflag:s18] =	ssyncset.done $0x0  }
0x79: {  	[sflag:s18] =	ssyncadd.s32 $0xFFFFD880  }
0x7a: {  	[bflag:$0x0] =	sbarrier.arrive $0xFFFF;
	_ =	sdelay $0x1  }
0x7b: {  	[tilespmem:s25], [sflag:$0x2] =	stream.strided.gather [spmem:s10], $0x2780, s24, s19, $0x38;
	[tilespmem:$0x1D790] =	vst v63  }
0x7c: {  	_ =	swait.ge [sflag:s18], $0x2780  }
0x7d: {  	[sflag:s18] =	ssyncset.done $0x0  }
0x7e: {  	s28 =	simm.s32 $0x0;
	[sflag:s18] =	ssyncadd.s32 $0xFFFFD880  }
0x7f: {  	s29 =	simm.s32 $0x40;
	v2 =	vld [tilespmem:s28+$0x5080]  }
.LBB2_13:
0x80: {  	p5 =	seq.s32 s29, $0x9C00;
	v3 =	vld [tilespmem:s28+$0x2900];
	_ =	sdelay $0x2  }
.Ltmp9:
0x81: {  	(pc) =	sbr.rel @!p5 .LBB2_13-.Ltmp9, $4  }
0x82: {  	_ = 	snop  }
0x83: {  	v3 =	vadd.f32 v2, v3  }
0x84: {  	s30 =	sshra.s32 s29, $0x2  }
0x85: {  	s29 =	sadd.s32 $0x40, s29;
	v2 =	vld [tilespmem:s30+$0x5080];
	[tilespmem:s28+$0x2900] =	vst v3;
	s28 =	smov.u32 s30  }
0x86: {  	v3 =	vld [tilespmem:s28+$0x2900];
	_ =	sdelay $0x4  }
0x87: {  	v2 =	vadd.f32 v2, v3;
	_ =	sdelay $0x1  }
0x88: {  	[tilespmem:s28+$0x2900] =	vst v2  }
0x89: {  	[spmem:s6] =	stream.strided.scatter [tilespmem:s23], [sflag:$0x2], $0x2780, s24, s19, $0x38;
	[tilespmem:$0x1D790] =	vst v63  }
.Ltmp10:
0x8a: {  	_ =	swait.ge [sflag:s18], $0x2780;
	(pc) =	sbr.rel @p4 .LBB2_19-.Ltmp10, $3  }
0x8b: {  	[sflag:s18] =	ssyncset.done $0x0  }
0x8c: {  	[sflag:s18] =	ssyncadd.s32 $0xFFFFD880  }
0x8d: {  	[bflag:$0x0] =	sbarrier.arrive $0xFFFF;
	_ =	sdelay $0x1  }
.Ltmp11:
0x8e: {  	(pc) =	sbr.rel .LBB2_22-.Ltmp11, $2  }
0x8f: {  	_ =	sdelay $0x1  }
0x90: {  	[bflag:$0x0] =	sbarrier.arrive $0xFFFF;
	_ =	sdelay $0x1  }
.LBB2_19:
0x91: {  	[tilespmem:s25], [sflag:$0x2] =	stream.strided.gather [spmem:s11], $0x2780, s24, s19, $0x38;
	[tilespmem:$0x1D790] =	vst v63  }
0x92: {  	_ =	swait.ge [sflag:s18], $0x2780  }
0x93: {  	[sflag:s18] =	ssyncset.done $0x0  }
0x94: {  	s28 =	simm.s32 $0x0;
	[sflag:s18] =	ssyncadd.s32 $0xFFFFD880  }
0x95: {  	s29 =	simm.s32 $0x40;
	v2 =	vld [tilespmem:s28+$0x5080]  }
.LBB2_20:
0x96: {  	p5 =	sne.s32 s29, $0x9C00;
	v3 =	vld [tilespmem:s28+$0x2900];
	_ =	sdelay $0x2  }
.Ltmp12:
0x97: {  	(pc) =	sbr.rel @p5 .LBB2_20-.Ltmp12, $4  }
0x98: {  	_ = 	snop  }
0x99: {  	v3 =	vadd.f32 v2, v3  }
0x9a: {  	s30 =	sshra.s32 s29, $0x2  }
0x9b: {  	s29 =	sadd.s32 $0x40, s29;
	v2 =	vld [tilespmem:s30+$0x5080];
	[tilespmem:s28+$0x2900] =	vst v3;
	s28 =	smov.u32 s30  }
0x9c: {  	v3 =	vld [tilespmem:s28+$0x2900];
	_ =	sdelay $0x4  }
0x9d: {  	v2 =	vadd.f32 v2, v3;
	_ =	sdelay $0x1  }
0x9e: {  	[tilespmem:s28+$0x2900] =	vst v2  }
0x9f: {  	[spmem:s6] =	stream.strided.scatter [tilespmem:s23], [sflag:$0x2], $0x2780, s24, s19, $0x38;
	[tilespmem:$0x1D790] =	vst v63  }
0xa0: {  	_ =	swait.ge [sflag:s18], $0x2780  }
0xa1: {  	[sflag:s18] =	ssyncset.done $0x0  }
0xa2: {  	[sflag:s18] =	ssyncadd.s32 $0xFFFFD880  }
.Ltmp13:
0xa3: {  	[bflag:$0x0] =	sbarrier.arrive $0xFFFF;
	(pc) =	sbr.rel .LBB2_22-.Ltmp13, $4  }
0xa4: {  	[hbm4b:s12+s19] =	stream.strided.scatter [tilespmem:s23], [sflag:$0x2], $0x2780, s21, s19, $0x38;
	[tilespmem:$0x1D790] =	vst v63  }
0xa5: {  	_ =	swait.ge [sflag:s18], $0x2780  }
0xa6: {  	[sflag:s18] =	ssyncset.done $0x0  }
0xa7: {  	[sflag:s18] =	ssyncadd.s32 $0xFFFFD880  }
.LBB2_23:
0xa8: {  	_ =	sfence.sel $0x180000  }
0xa9: {  	[bflag:$0x0] =	sbarrier.arrive $0xFFFF  }
0xaa: {  	p0 =	sne.s32 s1, $0x0;
	_ =	strace $0x90000047  }
0xab: {  	s0 =	sadd.s32 @!p0 $0x100000, s2;
	[bflag:$0x2] =	sbarrier.arrive $0xFFFF  }
0xac: {  	[sflag:s0] =	ssyncadd.tile.s32 @!p0 $0x1;
	_ =	shalt  }
.Lfunc_end2:
_tile_overlayer_lowered:
.L_overlay_start_2:
0xad: {  	(tag) =	ssettag $0x2  }
0xae: {  	s0 =	rddreg [dreg:$0x0];
	s2 =	stileid.u32  }
0xaf: {  	s1 =	rddreg [dreg:$0x1];
	p0 =	sne.s32 s2, $0x0  }
0xb0: {  	s3 =	rddreg [dreg:$0x2];
	[bflag:$0x3] =	sbarrier.arrive $0xFFFF;
	s2 =	simm.s32 @!p0 $0x1C02  }
0xb1: {  	[timem:s3], [sflag:s2] =	dma.local @!p0 [hbm:s0], s1  }
0xb2: {  	s0 =	simm.s32 @!p0 $0x2  }
0xb3: {  	_ =	swait.ge @!p0 [sflag:s0], s1  }
0xb4: {  	s1 =	ssub.s32 @!p0 $0x0, s1;
	[sflag:s0] =	ssyncset.done @!p0 $0x0  }
0xb5: {  	[sflag:s0] =	ssyncadd.s32 @!p0 s1  }
0xb6: {  	[bflag:$0x3] =	sbarrier.arrive $0xFFFF  }
0xb7: {  	_ =	shalt  }

</sc_bundles>
